<compile_context>
chip_gen: v7x
topology: tpu7x:2x2x1
jax: 0.10.2.dev20260603
libtpu: 0.0.44.dev20260713+nightly
codegen_flags: <defaults>
</compile_context>

<pallas_src>
import functools

import jax
import jax.numpy as jnp
from jax import lax
from jax.experimental import pallas as pl
from jax.experimental.pallas import tpu as pltpu
from jax.experimental.pallas import tpu_sc as plsc

_USER_LEN = 1000000
_L_SIZE = 32
_BATCH = 16384

_NC = 2
_NS = 16
_NW = _NC * _NS
_B_PER_W = _BATCH // _NW
_RING = 16

_mesh = plsc.VectorSubcoreMesh(core_axis_name="c", subcore_axis_name="s")


@functools.partial(
    pl.kernel,
    mesh=_mesh,
    out_type=jax.ShapeDtypeStruct((_L_SIZE, _BATCH), jnp.float32),
    scratch_types=[
        pltpu.VMEM((_B_PER_W + 16,), jnp.int32),
        pltpu.VMEM((_RING, _L_SIZE, 128), jnp.float32),
        pltpu.VMEM((_L_SIZE, _B_PER_W), jnp.float32),
        pltpu.SemaphoreType.DMA,
    ],
    compiler_params=pltpu.CompilerParams(
        disable_bounds_checks=True, needs_layout_passes=False
    ),
)
def _sc_gather(idx_hbm, tableT_hbm, outT_hbm, idx_v, blk, cols_v, sem):
    wid = lax.axis_index("s") * _NC + lax.axis_index("c")
    pltpu.sync_copy(idx_hbm.at[wid], idx_v.at[pl.ds(0, _B_PER_W)])

    c_lo = lax.iota(jnp.int32, 16)
    c_hi = c_lo + 16

    def row_r(i):
        return idx_v[pl.ds(i, 16)][0]

    def enqueue(i):
        r = row_r(i)
        base = pl.multiple_of((r >> 7) << 7, 128)
        pltpu.async_copy(
            tableT_hbm.at[:, pl.ds(base, 128)],
            blk.at[lax.rem(i, _RING)],
            sem,
        )

    def finish(i):
        pltpu.make_async_copy(
            tableT_hbm.at[:, pl.ds(0, 128)],
            blk.at[lax.rem(i, _RING)],
            sem,
        ).wait()
        r = row_r(i)
        m_vec = jnp.full((16,), r & 127, jnp.int32)
        s_vec = jnp.full((16,), lax.rem(i, _RING), jnp.int32)
        b_vec = jnp.full((16,), i, jnp.int32)
        v0 = plsc.load_gather(blk, [s_vec, c_lo, m_vec])
        v1 = plsc.load_gather(blk, [s_vec, c_hi, m_vec])
        plsc.store_scatter(cols_v, [c_lo, b_vec], v0)
        plsc.store_scatter(cols_v, [c_hi, b_vec], v1)

    def body(i, _):
        @pl.when(i >= _RING)
        def _():
            finish(i - _RING)

        enqueue(i)
        return ()

    lax.fori_loop(0, _B_PER_W, body, ())
    for k in range(_RING):
        finish(_B_PER_W - _RING + k)

    pltpu.sync_copy(
        cols_v,
        outT_hbm.at[:, pl.ds(pl.multiple_of(wid * _B_PER_W, 128), _B_PER_W)],
    )


def kernel(users, uEmbed):
    idx = users.astype(jnp.int32).reshape(_NW, _B_PER_W)
    outT = _sc_gather(idx, uEmbed.T)
    return outT.T

# --- scband reference (transcript-rebuilt; emitter-appended) ---
"""Pipeline reference for scband-rom-28767690948721 (READ-ONLY COPY).

The authoritative reference and input builder live on the scoring server;
editing this copy changes nothing except your own understanding.
"""

import jax, jax.numpy as jnp
import numpy as np

USER_LEN = 1000000
L_SIZE = 32
BATCH = 16384


def setup_inputs(seed: int = 0) -> dict:
    key = jax.random.key(seed)
    k_idx, k_emb = jax.random.split(key)
    users = jax.random.randint(k_idx, (BATCH,), 0, USER_LEN, dtype=jnp.int64)
    uEmbed = jax.random.normal(k_emb, (USER_LEN, L_SIZE), dtype=jnp.float32)
    return {"users": users, "uEmbed": uEmbed}


def reference(users, uEmbed):
    # Embedding lookup: uEmbed(users)
    return jnp.take(uEmbed, users, axis=0)

if __name__ == "__main__":
    import jax
    _d = setup_inputs()
    print(jax.jit(kernel)(*tuple(_d.values())))

</pallas_src>

<mosaic_0001>
#map = affine_map<(d0, d1) -> (0, 0)>
module attributes {stable_mosaic.version = 14 : i64} {
  func.func @_sc_gather(%arg0: i32, %arg1: i32, %arg2: memref<32x512xi32, #tpu.memory_space<hbm>>, %arg3: memref<32x1000000xf32, #tpu.memory_space<hbm>>, %arg4: memref<32x16384xf32, #tpu.memory_space<hbm>>, %arg5: memref<528xi32, #tpu.memory_space<vmem>>, %arg6: memref<16x32x128xf32, #tpu.memory_space<vmem>>, %arg7: memref<32x512xf32, #tpu.memory_space<vmem>>, %arg8: memref<!tpu.dma_semaphore, #tpu.memory_space<semaphore_mem>>) attributes {dimension_semantics = [#tpu.dimension_semantics<core_parallel>, #tpu.dimension_semantics<subcore_parallel>], iteration_bounds = array<i64: 2, 16>, scalar_prefetch = 0 : i64, scratch_operands = 4 : i64, tpu.core_type = #tpu.core_type<sc_vector_subcore>, window_params = [{transform_indices = #map}, {transform_indices = #map}, {transform_indices = #map}]} {
    %mul3A = arith.constant 2 : i32
    %mul3A_0 = arith.muli %arg1, %mul3A : i32
    %add3A = arith.addi %mul3A_0, %arg0 : i32
    "tpu.region"() ({
      %run_scoped3A = tpu.sem_alloc : memref<!tpu.dma_semaphore, #tpu.memory_space<semaphore_mem>>
      %dma_start3A = arith.constant 0 : i32
      %dma_start3A_514 = tpu.memref_slice %arg5[%dma_start3A] : memref<528xi32, #tpu.memory_space<vmem>> -> memref<512xi32, #tpu.memory_space<vmem>>
      %dma_start3A_515 = arith.constant 0 : i32
      %dma_start3A_516 = tpu.memref_slice %arg2[%add3A, %dma_start3A_515] : memref<32x512xi32, #tpu.memory_space<hbm>> -> memref<1x512xi32, #tpu.memory_space<hbm>>
      %dma_start3A_517 = tpu.memref_squeeze %dma_start3A_516 : memref<1x512xi32, #tpu.memory_space<hbm>> -> memref<512xi32, #tpu.memory_space<hbm>>
      %dma_start3A_518 = arith.constant 0 : i32
      %dma_start3A_519 = tpu.memref_slice %arg5[%dma_start3A_518] : memref<528xi32, #tpu.memory_space<vmem>> -> memref<512xi32, #tpu.memory_space<vmem>>
      %dma_start3A_520 = arith.constant 0 : i32
      %dma_start3A_521 = tpu.memref_slice %arg2[%add3A, %dma_start3A_520] : memref<32x512xi32, #tpu.memory_space<hbm>> -> memref<1x512xi32, #tpu.memory_space<hbm>>
      %dma_start3A_522 = tpu.memref_squeeze %dma_start3A_521 : memref<1x512xi32, #tpu.memory_space<hbm>> -> memref<512xi32, #tpu.memory_space<hbm>>
      tpu.enqueue_dma source(%dma_start3A_522 : memref<512xi32, #tpu.memory_space<hbm>>) target(%dma_start3A_519 : memref<512xi32, #tpu.memory_space<vmem>>) target_semaphore(%run_scoped3A : memref<!tpu.dma_semaphore, #tpu.memory_space<semaphore_mem>>)
      %dma_wait3A_523 = arith.constant 0 : i32
      %dma_wait3A_524 = tpu.memref_slice %arg5[%dma_wait3A_523] : memref<528xi32, #tpu.memory_space<vmem>> -> memref<512xi32, #tpu.memory_space<vmem>>
      %dma_wait3A_525 = arith.constant 0 : i32
      %dma_wait3A_526 = tpu.memref_slice %arg2[%add3A, %dma_wait3A_525] : memref<32x512xi32, #tpu.memory_space<hbm>> -> memref<1x512xi32, #tpu.memory_space<hbm>>
      %dma_wait3A_527 = tpu.memref_squeeze %dma_wait3A_526 : memref<1x512xi32, #tpu.memory_space<hbm>> -> memref<512xi32, #tpu.memory_space<hbm>>
      %dma_wait3A_528 = arith.constant 0 : i32
      %dma_wait3A_529 = tpu.memref_slice %arg5[%dma_wait3A_528] : memref<528xi32, #tpu.memory_space<vmem>> -> memref<512xi32, #tpu.memory_space<vmem>>
      %dma_wait3A_530 = arith.constant 0 : i32
      %dma_wait3A_531 = tpu.memref_slice %arg2[%add3A, %dma_wait3A_530] : memref<32x512xi32, #tpu.memory_space<hbm>> -> memref<1x512xi32, #tpu.memory_space<hbm>>
      %dma_wait3A_532 = tpu.memref_squeeze %dma_wait3A_531 : memref<1x512xi32, #tpu.memory_space<hbm>> -> memref<512xi32, #tpu.memory_space<hbm>>
      tpu.wait_dma2 semaphore(%run_scoped3A : memref<!tpu.dma_semaphore, #tpu.memory_space<semaphore_mem>>) src(%dma_wait3A_532 : memref<512xi32, #tpu.memory_space<hbm>>) dst(%dma_wait3A_529 : memref<512xi32, #tpu.memory_space<vmem>>)
      tpu.yield
    }) : () -> ()
    %iota3A = tpu.iota {dimensions = array<i32: 0>} : vector<16xi32>
    %add3A_1 = arith.constant 16 : i32
    %add3A_2 = vector.broadcast %add3A_1 : i32 to vector<16xi32>
    %add3A_3 = arith.addi %iota3A, %add3A_2 : vector<16xi32>
    %scan3A = arith.constant 0 : i32
    %scan3A_4 = arith.constant 512 : i32
    %scan3A_5 = arith.addi %scan3A, %scan3A_4 : i32
    %scan3A_6 = arith.constant 1 : i32
    scf.for %scan3A_514 = %scan3A to %scan3A_5 step %scan3A_6  : i32 {
      %ge3A = arith.constant 16 : i32
      %ge3A_515 = arith.cmpi sge, %scan3A_514, %ge3A : i32
      %convert_element_type3A = arith.extui %ge3A_515 : i1 to i32
      %cond3A = arith.constant 0 : i32
      %cond3A_516 = arith.cmpi ne, %convert_element_type3A, %cond3A : i32
      scf.if %cond3A_516 {
        %sub3A = arith.constant 16 : i32
        %sub3A_537 = arith.subi %scan3A_514, %sub3A : i32
        %rem3A_538 = arith.constant 16 : i32
        %rem3A_539 = arith.remsi %sub3A_537, %rem3A_538 : i32
        %dma_wait3A_540 = arith.constant 0 : i32
        %dma_wait3A_541 = arith.constant 0 : i32
        %dma_wait3A_542 = tpu.memref_slice %arg6[%rem3A_539, %dma_wait3A_540, %dma_wait3A_541] : memref<16x32x128xf32, #tpu.memory_space<vmem>> -> memref<1x32x128xf32, #tpu.memory_space<vmem>>
        %dma_wait3A_543 = tpu.memref_squeeze %dma_wait3A_542 : memref<1x32x128xf32, #tpu.memory_space<vmem>> -> memref<32x128xf32, #tpu.memory_space<vmem>>
        %dma_wait3A_544 = arith.constant 0 : i32
        %dma_wait3A_545 = arith.constant 0 : i32
        %dma_wait3A_546 = tpu.memref_slice %arg3[%dma_wait3A_544, %dma_wait3A_545] : memref<32x1000000xf32, #tpu.memory_space<hbm>> -> memref<32x128xf32, #tpu.memory_space<hbm>>
        %dma_wait3A_547 = arith.constant 0 : i32
        %dma_wait3A_548 = arith.constant 0 : i32
        %dma_wait3A_549 = tpu.memref_slice %arg6[%rem3A_539, %dma_wait3A_547, %dma_wait3A_548] : memref<16x32x128xf32, #tpu.memory_space<vmem>> -> memref<1x32x128xf32, #tpu.memory_space<vmem>>
        %dma_wait3A_550 = tpu.memref_squeeze %dma_wait3A_549 : memref<1x32x128xf32, #tpu.memory_space<vmem>> -> memref<32x128xf32, #tpu.memory_space<vmem>>
        %dma_wait3A_551 = arith.constant 0 : i32
        %dma_wait3A_552 = arith.constant 0 : i32
        %dma_wait3A_553 = tpu.memref_slice %arg3[%dma_wait3A_551, %dma_wait3A_552] : memref<32x1000000xf32, #tpu.memory_space<hbm>> -> memref<32x128xf32, #tpu.memory_space<hbm>>
        tpu.wait_dma2 semaphore(%arg8 : memref<!tpu.dma_semaphore, #tpu.memory_space<semaphore_mem>>) src(%dma_wait3A_553 : memref<32x128xf32, #tpu.memory_space<hbm>>) dst(%dma_wait3A_550 : memref<32x128xf32, #tpu.memory_space<vmem>>)
        %get3A_554 = arith.index_cast %sub3A_537 : i32 to index
        %get3A_555 = tpu.vector_load %arg5[%get3A_554] {strides = array<i32>} : memref<528xi32, #tpu.memory_space<vmem>>, vector<16xi32>,
        %slice3A_556 = vector.extract_strided_slice %get3A_555 {offsets = [0], sizes = [1], strides = [1]} : vector<16xi32> to vector<1xi32>
        %squeeze3A_557 = vector.extract %slice3A_556[0] : i32 from vector<1xi32>
        %and3A_558 = arith.constant 127 : i32
        %and3A_559 = arith.andi %squeeze3A_557, %and3A_558 : i32
        %broadcast_in_dim3A_560 = vector.broadcast %and3A_559 : i32 to vector<16xi32>
        %rem3A_561 = arith.constant 16 : i32
        %rem3A_562 = arith.remsi %sub3A_537, %rem3A_561 : i32
        %broadcast_in_dim3A_563 = vector.broadcast %rem3A_562 : i32 to vector<16xi32>
        %broadcast_in_dim3A_564 = vector.broadcast %sub3A_537 : i32 to vector<16xi32>
        %gather3A_565 = tpu.vector_load_idx %arg6[%broadcast_in_dim3A_563, %iota3A, %broadcast_in_dim3A_560] : memref<16x32x128xf32, #tpu.memory_space<vmem>>[vector<16xi32>, vector<16xi32>, vector<16xi32>], vector<16xf32>,
        %gather3A_566 = tpu.vector_load_idx %arg6[%broadcast_in_dim3A_563, %add3A_3, %broadcast_in_dim3A_560] : memref<16x32x128xf32, #tpu.memory_space<vmem>>[vector<16xi32>, vector<16xi32>, vector<16xi32>], vector<16xf32>,
        tpu.vector_store_idx %arg7[%iota3A, %broadcast_in_dim3A_564], %gather3A_565 : memref<32x512xf32, #tpu.memory_space<vmem>>[vector<16xi32>, vector<16xi32>], vector<16xf32>,
        tpu.vector_store_idx %arg7[%add3A_3, %broadcast_in_dim3A_564], %gather3A_566 : memref<32x512xf32, #tpu.memory_space<vmem>>[vector<16xi32>, vector<16xi32>], vector<16xf32>,
      } else {
      }
      %get3A_517 = arith.index_cast %scan3A_514 : i32 to index
      %get3A_518 = tpu.vector_load %arg5[%get3A_517] {strides = array<i32>} : memref<528xi32, #tpu.memory_space<vmem>>, vector<16xi32>,
      %slice3A_519 = vector.extract_strided_slice %get3A_518 {offsets = [0], sizes = [1], strides = [1]} : vector<16xi32> to vector<1xi32>
      %squeeze3A_520 = vector.extract %slice3A_519[0] : i32 from vector<1xi32>
      %shift_right_arithmetic3A = arith.constant 7 : i32
      %shift_right_arithmetic3A_521 = arith.shrsi %squeeze3A_520, %shift_right_arithmetic3A : i32
      %shift_left3A = arith.constant 7 : i32
      %shift_left3A_522 = arith.shli %shift_right_arithmetic3A_521, %shift_left3A : i32
      %multiple_of3A_523 = tpu.assume_multiple %shift_left3A_522, 128 : i32
      %rem3A_524 = arith.constant 16 : i32
      %rem3A_525 = arith.remsi %scan3A_514, %rem3A_524 : i32
      %dma_start3A = arith.constant 0 : i32
      %dma_start3A_526 = arith.constant 0 : i32
      %dma_start3A_527 = tpu.memref_slice %arg6[%rem3A_525, %dma_start3A, %dma_start3A_526] : memref<16x32x128xf32, #tpu.memory_space<vmem>> -> memref<1x32x128xf32, #tpu.memory_space<vmem>>
      %dma_start3A_528 = tpu.memref_squeeze %dma_start3A_527 : memref<1x32x128xf32, #tpu.memory_space<vmem>> -> memref<32x128xf32, #tpu.memory_space<vmem>>
      %dma_start3A_529 = arith.constant 0 : i32
      %dma_start3A_530 = tpu.memref_slice %arg3[%dma_start3A_529, %multiple_of3A_523] : memref<32x1000000xf32, #tpu.memory_space<hbm>> -> memref<32x128xf32, #tpu.memory_space<hbm>>
      %dma_start3A_531 = arith.constant 0 : i32
      %dma_start3A_532 = arith.constant 0 : i32
      %dma_start3A_533 = tpu.memref_slice %arg6[%rem3A_525, %dma_start3A_531, %dma_start3A_532] : memref<16x32x128xf32, #tpu.memory_space<vmem>> -> memref<1x32x128xf32, #tpu.memory_space<vmem>>
      %dma_start3A_534 = tpu.memref_squeeze %dma_start3A_533 : memref<1x32x128xf32, #tpu.memory_space<vmem>> -> memref<32x128xf32, #tpu.memory_space<vmem>>
      %dma_start3A_535 = arith.constant 0 : i32
      %dma_start3A_536 = tpu.memref_slice %arg3[%dma_start3A_535, %multiple_of3A_523] : memref<32x1000000xf32, #tpu.memory_space<hbm>> -> memref<32x128xf32, #tpu.memory_space<hbm>>
      tpu.enqueue_dma source(%dma_start3A_536 : memref<32x128xf32, #tpu.memory_space<hbm>>) target(%dma_start3A_534 : memref<32x128xf32, #tpu.memory_space<vmem>>) target_semaphore(%arg8 : memref<!tpu.dma_semaphore, #tpu.memory_space<semaphore_mem>>)
    }
    %scan3A_7 = arith.constant 512 : i32
    %rem3A = arith.constant 496 : i32
    %rem3A_8 = arith.constant 16 : i32
    %rem3A_9 = arith.remsi %rem3A, %rem3A_8 : i32
    %dma_wait3A = arith.constant 0 : i32
    %dma_wait3A_10 = arith.constant 0 : i32
    %dma_wait3A_11 = tpu.memref_slice %arg6[%rem3A_9, %dma_wait3A, %dma_wait3A_10] : memref<16x32x128xf32, #tpu.memory_space<vmem>> -> memref<1x32x128xf32, #tpu.memory_space<vmem>>
    %dma_wait3A_12 = tpu.memref_squeeze %dma_wait3A_11 : memref<1x32x128xf32, #tpu.memory_space<vmem>> -> memref<32x128xf32, #tpu.memory_space<vmem>>
    %dma_wait3A_13 = arith.constant 0 : i32
    %dma_wait3A_14 = arith.constant 0 : i32
    %dma_wait3A_15 = tpu.memref_slice %arg3[%dma_wait3A_13, %dma_wait3A_14] : memref<32x1000000xf32, #tpu.memory_space<hbm>> -> memref<32x128xf32, #tpu.memory_space<hbm>>
    %dma_wait3A_16 = arith.constant 0 : i32
    %dma_wait3A_17 = arith.constant 0 : i32
    %dma_wait3A_18 = tpu.memref_slice %arg6[%rem3A_9, %dma_wait3A_16, %dma_wait3A_17] : memref<16x32x128xf32, #tpu.memory_space<vmem>> -> memref<1x32x128xf32, #tpu.memory_space<vmem>>
    %dma_wait3A_19 = tpu.memref_squeeze %dma_wait3A_18 : memref<1x32x128xf32, #tpu.memory_space<vmem>> -> memref<32x128xf32, #tpu.memory_space<vmem>>
    %dma_wait3A_20 = arith.constant 0 : i32
    %dma_wait3A_21 = arith.constant 0 : i32
    %dma_wait3A_22 = tpu.memref_slice %arg3[%dma_wait3A_20, %dma_wait3A_21] : memref<32x1000000xf32, #tpu.memory_space<hbm>> -> memref<32x128xf32, #tpu.memory_space<hbm>>
    tpu.wait_dma2 semaphore(%arg8 : memref<!tpu.dma_semaphore, #tpu.memory_space<semaphore_mem>>) src(%dma_wait3A_22 : memref<32x128xf32, #tpu.memory_space<hbm>>) dst(%dma_wait3A_19 : memref<32x128xf32, #tpu.memory_space<vmem>>)
    %get3A = arith.constant 496 : index
    %get3A_23 = tpu.vector_load %arg5[%get3A] {strides = array<i32>} : memref<528xi32, #tpu.memory_space<vmem>>, vector<16xi32>,
    %slice3A = vector.extract_strided_slice %get3A_23 {offsets = [0], sizes = [1], strides = [1]} : vector<16xi32> to vector<1xi32>
    %squeeze3A = vector.extract %slice3A[0] : i32 from vector<1xi32>
    %and3A = arith.constant 127 : i32
    %and3A_24 = arith.andi %squeeze3A, %and3A : i32
    %broadcast_in_dim3A = vector.broadcast %and3A_24 : i32 to vector<16xi32>
    %rem3A_25 = arith.constant 496 : i32
    %rem3A_26 = arith.constant 16 : i32
    %rem3A_27 = arith.remsi %rem3A_25, %rem3A_26 : i32
    %broadcast_in_dim3A_28 = vector.broadcast %rem3A_27 : i32 to vector<16xi32>
    %broadcast_in_dim3A_29 = arith.constant 496 : i32
    %broadcast_in_dim3A_30 = vector.broadcast %broadcast_in_dim3A_29 : i32 to vector<16xi32>
    %gather3A = tpu.vector_load_idx %arg6[%broadcast_in_dim3A_28, %iota3A, %broadcast_in_dim3A] : memref<16x32x128xf32, #tpu.memory_space<vmem>>[vector<16xi32>, vector<16xi32>, vector<16xi32>], vector<16xf32>,
    %gather3A_31 = tpu.vector_load_idx %arg6[%broadcast_in_dim3A_28, %add3A_3, %broadcast_in_dim3A] : memref<16x32x128xf32, #tpu.memory_space<vmem>>[vector<16xi32>, vector<16xi32>, vector<16xi32>], vector<16xf32>,
    tpu.vector_store_idx %arg7[%iota3A, %broadcast_in_dim3A_30], %gather3A : memref<32x512xf32, #tpu.memory_space<vmem>>[vector<16xi32>, vector<16xi32>], vector<16xf32>,
    tpu.vector_store_idx %arg7[%add3A_3, %broadcast_in_dim3A_30], %gather3A_31 : memref<32x512xf32, #tpu.memory_space<vmem>>[vector<16xi32>, vector<16xi32>], vector<16xf32>,
    %rem3A_32 = arith.constant 497 : i32
    %rem3A_33 = arith.constant 16 : i32
    %rem3A_34 = arith.remsi %rem3A_32, %rem3A_33 : i32
    %dma_wait3A_35 = arith.constant 0 : i32
    %dma_wait3A_36 = arith.constant 0 : i32
    %dma_wait3A_37 = tpu.memref_slice %arg6[%rem3A_34, %dma_wait3A_35, %dma_wait3A_36] : memref<16x32x128xf32, #tpu.memory_space<vmem>> -> memref<1x32x128xf32, #tpu.memory_space<vmem>>
    %dma_wait3A_38 = tpu.memref_squeeze %dma_wait3A_37 : memref<1x32x128xf32, #tpu.memory_space<vmem>> -> memref<32x128xf32, #tpu.memory_space<vmem>>
    %dma_wait3A_39 = arith.constant 0 : i32
    %dma_wait3A_40 = arith.constant 0 : i32
    %dma_wait3A_41 = tpu.memref_slice %arg3[%dma_wait3A_39, %dma_wait3A_40] : memref<32x1000000xf32, #tpu.memory_space<hbm>> -> memref<32x128xf32, #tpu.memory_space<hbm>>
    %dma_wait3A_42 = arith.constant 0 : i32
    %dma_wait3A_43 = arith.constant 0 : i32
    %dma_wait3A_44 = tpu.memref_slice %arg6[%rem3A_34, %dma_wait3A_42, %dma_wait3A_43] : memref<16x32x128xf32, #tpu.memory_space<vmem>> -> memref<1x32x128xf32, #tpu.memory_space<vmem>>
    %dma_wait3A_45 = tpu.memref_squeeze %dma_wait3A_44 : memref<1x32x128xf32, #tpu.memory_space<vmem>> -> memref<32x128xf32, #tpu.memory_space<vmem>>
    %dma_wait3A_46 = arith.constant 0 : i32
    %dma_wait3A_47 = arith.constant 0 : i32
    %dma_wait3A_48 = tpu.memref_slice %arg3[%dma_wait3A_46, %dma_wait3A_47] : memref<32x1000000xf32, #tpu.memory_space<hbm>> -> memref<32x128xf32, #tpu.memory_space<hbm>>
    tpu.wait_dma2 semaphore(%arg8 : memref<!tpu.dma_semaphore, #tpu.memory_space<semaphore_mem>>) src(%dma_wait3A_48 : memref<32x128xf32, #tpu.memory_space<hbm>>) dst(%dma_wait3A_45 : memref<32x128xf32, #tpu.memory_space<vmem>>)
    %get3A_49 = arith.constant 497 : index
    %get3A_50 = tpu.vector_load %arg5[%get3A_49] {strides = array<i32>} : memref<528xi32, #tpu.memory_space<vmem>>, vector<16xi32>,
    %slice3A_51 = vector.extract_strided_slice %get3A_50 {offsets = [0], sizes = [1], strides = [1]} : vector<16xi32> to vector<1xi32>
    %squeeze3A_52 = vector.extract %slice3A_51[0] : i32 from vector<1xi32>
    %and3A_53 = arith.constant 127 : i32
    %and3A_54 = arith.andi %squeeze3A_52, %and3A_53 : i32
    %broadcast_in_dim3A_55 = vector.broadcast %and3A_54 : i32 to vector<16xi32>
    %rem3A_56 = arith.constant 497 : i32
    %rem3A_57 = arith.constant 16 : i32
    %rem3A_58 = arith.remsi %rem3A_56, %rem3A_57 : i32
    %broadcast_in_dim3A_59 = vector.broadcast %rem3A_58 : i32 to vector<16xi32>
    %broadcast_in_dim3A_60 = arith.constant 497 : i32
    %broadcast_in_dim3A_61 = vector.broadcast %broadcast_in_dim3A_60 : i32 to vector<16xi32>
    %gather3A_62 = tpu.vector_load_idx %arg6[%broadcast_in_dim3A_59, %iota3A, %broadcast_in_dim3A_55] : memref<16x32x128xf32, #tpu.memory_space<vmem>>[vector<16xi32>, vector<16xi32>, vector<16xi32>], vector<16xf32>,
    %gather3A_63 = tpu.vector_load_idx %arg6[%broadcast_in_dim3A_59, %add3A_3, %broadcast_in_dim3A_55] : memref<16x32x128xf32, #tpu.memory_space<vmem>>[vector<16xi32>, vector<16xi32>, vector<16xi32>], vector<16xf32>,
    tpu.vector_store_idx %arg7[%iota3A, %broadcast_in_dim3A_61], %gather3A_62 : memref<32x512xf32, #tpu.memory_space<vmem>>[vector<16xi32>, vector<16xi32>], vector<16xf32>,
    tpu.vector_store_idx %arg7[%add3A_3, %broadcast_in_dim3A_61], %gather3A_63 : memref<32x512xf32, #tpu.memory_space<vmem>>[vector<16xi32>, vector<16xi32>], vector<16xf32>,
    %rem3A_64 = arith.constant 498 : i32
    %rem3A_65 = arith.constant 16 : i32
    %rem3A_66 = arith.remsi %rem3A_64, %rem3A_65 : i32
    %dma_wait3A_67 = arith.constant 0 : i32
    %dma_wait3A_68 = arith.constant 0 : i32
    %dma_wait3A_69 = tpu.memref_slice %arg6[%rem3A_66, %dma_wait3A_67, %dma_wait3A_68] : memref<16x32x128xf32, #tpu.memory_space<vmem>> -> memref<1x32x128xf32, #tpu.memory_space<vmem>>
    %dma_wait3A_70 = tpu.memref_squeeze %dma_wait3A_69 : memref<1x32x128xf32, #tpu.memory_space<vmem>> -> memref<32x128xf32, #tpu.memory_space<vmem>>
    %dma_wait3A_71 = arith.constant 0 : i32
    %dma_wait3A_72 = arith.constant 0 : i32
    %dma_wait3A_73 = tpu.memref_slice %arg3[%dma_wait3A_71, %dma_wait3A_72] : memref<32x1000000xf32, #tpu.memory_space<hbm>> -> memref<32x128xf32, #tpu.memory_space<hbm>>
    %dma_wait3A_74 = arith.constant 0 : i32
    %dma_wait3A_75 = arith.constant 0 : i32
    %dma_wait3A_76 = tpu.memref_slice %arg6[%rem3A_66, %dma_wait3A_74, %dma_wait3A_75] : memref<16x32x128xf32, #tpu.memory_space<vmem>> -> memref<1x32x128xf32, #tpu.memory_space<vmem>>
    %dma_wait3A_77 = tpu.memref_squeeze %dma_wait3A_76 : memref<1x32x128xf32, #tpu.memory_space<vmem>> -> memref<32x128xf32, #tpu.memory_space<vmem>>
    %dma_wait3A_78 = arith.constant 0 : i32
    %dma_wait3A_79 = arith.constant 0 : i32
    %dma_wait3A_80 = tpu.memref_slice %arg3[%dma_wait3A_78, %dma_wait3A_79] : memref<32x1000000xf32, #tpu.memory_space<hbm>> -> memref<32x128xf32, #tpu.memory_space<hbm>>
    tpu.wait_dma2 semaphore(%arg8 : memref<!tpu.dma_semaphore, #tpu.memory_space<semaphore_mem>>) src(%dma_wait3A_80 : memref<32x128xf32, #tpu.memory_space<hbm>>) dst(%dma_wait3A_77 : memref<32x128xf32, #tpu.memory_space<vmem>>)
    %get3A_81 = arith.constant 498 : index
    %get3A_82 = tpu.vector_load %arg5[%get3A_81] {strides = array<i32>} : memref<528xi32, #tpu.memory_space<vmem>>, vector<16xi32>,
    %slice3A_83 = vector.extract_strided_slice %get3A_82 {offsets = [0], sizes = [1], strides = [1]} : vector<16xi32> to vector<1xi32>
    %squeeze3A_84 = vector.extract %slice3A_83[0] : i32 from vector<1xi32>
    %and3A_85 = arith.constant 127 : i32
    %and3A_86 = arith.andi %squeeze3A_84, %and3A_85 : i32
    %broadcast_in_dim3A_87 = vector.broadcast %and3A_86 : i32 to vector<16xi32>
    %rem3A_88 = arith.constant 498 : i32
    %rem3A_89 = arith.constant 16 : i32
    %rem3A_90 = arith.remsi %rem3A_88, %rem3A_89 : i32
    %broadcast_in_dim3A_91 = vector.broadcast %rem3A_90 : i32 to vector<16xi32>
    %broadcast_in_dim3A_92 = arith.constant 498 : i32
    %broadcast_in_dim3A_93 = vector.broadcast %broadcast_in_dim3A_92 : i32 to vector<16xi32>
    %gather3A_94 = tpu.vector_load_idx %arg6[%broadcast_in_dim3A_91, %iota3A, %broadcast_in_dim3A_87] : memref<16x32x128xf32, #tpu.memory_space<vmem>>[vector<16xi32>, vector<16xi32>, vector<16xi32>], vector<16xf32>,
    %gather3A_95 = tpu.vector_load_idx %arg6[%broadcast_in_dim3A_91, %add3A_3, %broadcast_in_dim3A_87] : memref<16x32x128xf32, #tpu.memory_space<vmem>>[vector<16xi32>, vector<16xi32>, vector<16xi32>], vector<16xf32>,
    tpu.vector_store_idx %arg7[%iota3A, %broadcast_in_dim3A_93], %gather3A_94 : memref<32x512xf32, #tpu.memory_space<vmem>>[vector<16xi32>, vector<16xi32>], vector<16xf32>,
    tpu.vector_store_idx %arg7[%add3A_3, %broadcast_in_dim3A_93], %gather3A_95 : memref<32x512xf32, #tpu.memory_space<vmem>>[vector<16xi32>, vector<16xi32>], vector<16xf32>,
    %rem3A_96 = arith.constant 499 : i32
    %rem3A_97 = arith.constant 16 : i32
    %rem3A_98 = arith.remsi %rem3A_96, %rem3A_97 : i32
    %dma_wait3A_99 = arith.constant 0 : i32
    %dma_wait3A_100 = arith.constant 0 : i32
    %dma_wait3A_101 = tpu.memref_slice %arg6[%rem3A_98, %dma_wait3A_99, %dma_wait3A_100] : memref<16x32x128xf32, #tpu.memory_space<vmem>> -> memref<1x32x128xf32, #tpu.memory_space<vmem>>
    %dma_wait3A_102 = tpu.memref_squeeze %dma_wait3A_101 : memref<1x32x128xf32, #tpu.memory_space<vmem>> -> memref<32x128xf32, #tpu.memory_space<vmem>>
    %dma_wait3A_103 = arith.constant 0 : i32
    %dma_wait3A_104 = arith.constant 0 : i32
    %dma_wait3A_105 = tpu.memref_slice %arg3[%dma_wait3A_103, %dma_wait3A_104] : memref<32x1000000xf32, #tpu.memory_space<hbm>> -> memref<32x128xf32, #tpu.memory_space<hbm>>
    %dma_wait3A_106 = arith.constant 0 : i32
    %dma_wait3A_107 = arith.constant 0 : i32
    %dma_wait3A_108 = tpu.memref_slice %arg6[%rem3A_98, %dma_wait3A_106, %dma_wait3A_107] : memref<16x32x128xf32, #tpu.memory_space<vmem>> -> memref<1x32x128xf32, #tpu.memory_space<vmem>>
    %dma_wait3A_109 = tpu.memref_squeeze %dma_wait3A_108 : memref<1x32x128xf32, #tpu.memory_space<vmem>> -> memref<32x128xf32, #tpu.memory_space<vmem>>
    %dma_wait3A_110 = arith.constant 0 : i32
    %dma_wait3A_111 = arith.constant 0 : i32
    %dma_wait3A_112 = tpu.memref_slice %arg3[%dma_wait3A_110, %dma_wait3A_111] : memref<32x1000000xf32, #tpu.memory_space<hbm>> -> memref<32x128xf32, #tpu.memory_space<hbm>>
    tpu.wait_dma2 semaphore(%arg8 : memref<!tpu.dma_semaphore, #tpu.memory_space<semaphore_mem>>) src(%dma_wait3A_112 : memref<32x128xf32, #tpu.memory_space<hbm>>) dst(%dma_wait3A_109 : memref<32x128xf32, #tpu.memory_space<vmem>>)
    %get3A_113 = arith.constant 499 : index
    %get3A_114 = tpu.vector_load %arg5[%get3A_113] {strides = array<i32>} : memref<528xi32, #tpu.memory_space<vmem>>, vector<16xi32>,
    %slice3A_115 = vector.extract_strided_slice %get3A_114 {offsets = [0], sizes = [1], strides = [1]} : vector<16xi32> to vector<1xi32>
    %squeeze3A_116 = vector.extract %slice3A_115[0] : i32 from vector<1xi32>
    %and3A_117 = arith.constant 127 : i32
    %and3A_118 = arith.andi %squeeze3A_116, %and3A_117 : i32
    %broadcast_in_dim3A_119 = vector.broadcast %and3A_118 : i32 to vector<16xi32>
    %rem3A_120 = arith.constant 499 : i32
    %rem3A_121 = arith.constant 16 : i32
    %rem3A_122 = arith.remsi %rem3A_120, %rem3A_121 : i32
    %broadcast_in_dim3A_123 = vector.broadcast %rem3A_122 : i32 to vector<16xi32>
    %broadcast_in_dim3A_124 = arith.constant 499 : i32
    %broadcast_in_dim3A_125 = vector.broadcast %broadcast_in_dim3A_124 : i32 to vector<16xi32>
    %gather3A_126 = tpu.vector_load_idx %arg6[%broadcast_in_dim3A_123, %iota3A, %broadcast_in_dim3A_119] : memref<16x32x128xf32, #tpu.memory_space<vmem>>[vector<16xi32>, vector<16xi32>, vector<16xi32>], vector<16xf32>,
    %gather3A_127 = tpu.vector_load_idx %arg6[%broadcast_in_dim3A_123, %add3A_3, %broadcast_in_dim3A_119] : memref<16x32x128xf32, #tpu.memory_space<vmem>>[vector<16xi32>, vector<16xi32>, vector<16xi32>], vector<16xf32>,
    tpu.vector_store_idx %arg7[%iota3A, %broadcast_in_dim3A_125], %gather3A_126 : memref<32x512xf32, #tpu.memory_space<vmem>>[vector<16xi32>, vector<16xi32>], vector<16xf32>,
    tpu.vector_store_idx %arg7[%add3A_3, %broadcast_in_dim3A_125], %gather3A_127 : memref<32x512xf32, #tpu.memory_space<vmem>>[vector<16xi32>, vector<16xi32>], vector<16xf32>,
    %rem3A_128 = arith.constant 500 : i32
    %rem3A_129 = arith.constant 16 : i32
    %rem3A_130 = arith.remsi %rem3A_128, %rem3A_129 : i32
    %dma_wait3A_131 = arith.constant 0 : i32
    %dma_wait3A_132 = arith.constant 0 : i32
    %dma_wait3A_133 = tpu.memref_slice %arg6[%rem3A_130, %dma_wait3A_131, %dma_wait3A_132] : memref<16x32x128xf32, #tpu.memory_space<vmem>> -> memref<1x32x128xf32, #tpu.memory_space<vmem>>
    %dma_wait3A_134 = tpu.memref_squeeze %dma_wait3A_133 : memref<1x32x128xf32, #tpu.memory_space<vmem>> -> memref<32x128xf32, #tpu.memory_space<vmem>>
    %dma_wait3A_135 = arith.constant 0 : i32
    %dma_wait3A_136 = arith.constant 0 : i32
    %dma_wait3A_137 = tpu.memref_slice %arg3[%dma_wait3A_135, %dma_wait3A_136] : memref<32x1000000xf32, #tpu.memory_space<hbm>> -> memref<32x128xf32, #tpu.memory_space<hbm>>
    %dma_wait3A_138 = arith.constant 0 : i32
    %dma_wait3A_139 = arith.constant 0 : i32
    %dma_wait3A_140 = tpu.memref_slice %arg6[%rem3A_130, %dma_wait3A_138, %dma_wait3A_139] : memref<16x32x128xf32, #tpu.memory_space<vmem>> -> memref<1x32x128xf32, #tpu.memory_space<vmem>>
    %dma_wait3A_141 = tpu.memref_squeeze %dma_wait3A_140 : memref<1x32x128xf32, #tpu.memory_space<vmem>> -> memref<32x128xf32, #tpu.memory_space<vmem>>
    %dma_wait3A_142 = arith.constant 0 : i32
    %dma_wait3A_143 = arith.constant 0 : i32
    %dma_wait3A_144 = tpu.memref_slice %arg3[%dma_wait3A_142, %dma_wait3A_143] : memref<32x1000000xf32, #tpu.memory_space<hbm>> -> memref<32x128xf32, #tpu.memory_space<hbm>>
    tpu.wait_dma2 semaphore(%arg8 : memref<!tpu.dma_semaphore, #tpu.memory_space<semaphore_mem>>) src(%dma_wait3A_144 : memref<32x128xf32, #tpu.memory_space<hbm>>) dst(%dma_wait3A_141 : memref<32x128xf32, #tpu.memory_space<vmem>>)
    %get3A_145 = arith.constant 500 : index
    %get3A_146 = tpu.vector_load %arg5[%get3A_145] {strides = array<i32>} : memref<528xi32, #tpu.memory_space<vmem>>, vector<16xi32>,
    %slice3A_147 = vector.extract_strided_slice %get3A_146 {offsets = [0], sizes = [1], strides = [1]} : vector<16xi32> to vector<1xi32>
    %squeeze3A_148 = vector.extract %slice3A_147[0] : i32 from vector<1xi32>
    %and3A_149 = arith.constant 127 : i32
    %and3A_150 = arith.andi %squeeze3A_148, %and3A_149 : i32
    %broadcast_in_dim3A_151 = vector.broadcast %and3A_150 : i32 to vector<16xi32>
    %rem3A_152 = arith.constant 500 : i32
    %rem3A_153 = arith.constant 16 : i32
    %rem3A_154 = arith.remsi %rem3A_152, %rem3A_153 : i32
    %broadcast_in_dim3A_155 = vector.broadcast %rem3A_154 : i32 to vector<16xi32>
    %broadcast_in_dim3A_156 = arith.constant 500 : i32
    %broadcast_in_dim3A_157 = vector.broadcast %broadcast_in_dim3A_156 : i32 to vector<16xi32>
    %gather3A_158 = tpu.vector_load_idx %arg6[%broadcast_in_dim3A_155, %iota3A, %broadcast_in_dim3A_151] : memref<16x32x128xf32, #tpu.memory_space<vmem>>[vector<16xi32>, vector<16xi32>, vector<16xi32>], vector<16xf32>,
    %gather3A_159 = tpu.vector_load_idx %arg6[%broadcast_in_dim3A_155, %add3A_3, %broadcast_in_dim3A_151] : memref<16x32x128xf32, #tpu.memory_space<vmem>>[vector<16xi32>, vector<16xi32>, vector<16xi32>], vector<16xf32>,
    tpu.vector_store_idx %arg7[%iota3A, %broadcast_in_dim3A_157], %gather3A_158 : memref<32x512xf32, #tpu.memory_space<vmem>>[vector<16xi32>, vector<16xi32>], vector<16xf32>,
    tpu.vector_store_idx %arg7[%add3A_3, %broadcast_in_dim3A_157], %gather3A_159 : memref<32x512xf32, #tpu.memory_space<vmem>>[vector<16xi32>, vector<16xi32>], vector<16xf32>,
    %rem3A_160 = arith.constant 501 : i32
    %rem3A_161 = arith.constant 16 : i32
    %rem3A_162 = arith.remsi %rem3A_160, %rem3A_161 : i32
    %dma_wait3A_163 = arith.constant 0 : i32
    %dma_wait3A_164 = arith.constant 0 : i32
    %dma_wait3A_165 = tpu.memref_slice %arg6[%rem3A_162, %dma_wait3A_163, %dma_wait3A_164] : memref<16x32x128xf32, #tpu.memory_space<vmem>> -> memref<1x32x128xf32, #tpu.memory_space<vmem>>
    %dma_wait3A_166 = tpu.memref_squeeze %dma_wait3A_165 : memref<1x32x128xf32, #tpu.memory_space<vmem>> -> memref<32x128xf32, #tpu.memory_space<vmem>>
    %dma_wait3A_167 = arith.constant 0 : i32
    %dma_wait3A_168 = arith.constant 0 : i32
    %dma_wait3A_169 = tpu.memref_slice %arg3[%dma_wait3A_167, %dma_wait3A_168] : memref<32x1000000xf32, #tpu.memory_space<hbm>> -> memref<32x128xf32, #tpu.memory_space<hbm>>
    %dma_wait3A_170 = arith.constant 0 : i32
    %dma_wait3A_171 = arith.constant 0 : i32
    %dma_wait3A_172 = tpu.memref_slice %arg6[%rem3A_162, %dma_wait3A_170, %dma_wait3A_171] : memref<16x32x128xf32, #tpu.memory_space<vmem>> -> memref<1x32x128xf32, #tpu.memory_space<vmem>>
    %dma_wait3A_173 = tpu.memref_squeeze %dma_wait3A_172 : memref<1x32x128xf32, #tpu.memory_space<vmem>> -> memref<32x128xf32, #tpu.memory_space<vmem>>
    %dma_wait3A_174 = arith.constant 0 : i32
    %dma_wait3A_175 = arith.constant 0 : i32
    %dma_wait3A_176 = tpu.memref_slice %arg3[%dma_wait3A_174, %dma_wait3A_175] : memref<32x1000000xf32, #tpu.memory_space<hbm>> -> memref<32x128xf32, #tpu.memory_space<hbm>>
    tpu.wait_dma2 semaphore(%arg8 : memref<!tpu.dma_semaphore, #tpu.memory_space<semaphore_mem>>) src(%dma_wait3A_176 : memref<32x128xf32, #tpu.memory_space<hbm>>) dst(%dma_wait3A_173 : memref<32x128xf32, #tpu.memory_space<vmem>>)
    %get3A_177 = arith.constant 501 : index
    %get3A_178 = tpu.vector_load %arg5[%get3A_177] {strides = array<i32>} : memref<528xi32, #tpu.memory_space<vmem>>, vector<16xi32>,
    %slice3A_179 = vector.extract_strided_slice %get3A_178 {offsets = [0], sizes = [1], strides = [1]} : vector<16xi32> to vector<1xi32>
    %squeeze3A_180 = vector.extract %slice3A_179[0] : i32 from vector<1xi32>
    %and3A_181 = arith.constant 127 : i32
    %and3A_182 = arith.andi %squeeze3A_180, %and3A_181 : i32
    %broadcast_in_dim3A_183 = vector.broadcast %and3A_182 : i32 to vector<16xi32>
    %rem3A_184 = arith.constant 501 : i32
    %rem3A_185 = arith.constant 16 : i32
    %rem3A_186 = arith.remsi %rem3A_184, %rem3A_185 : i32
    %broadcast_in_dim3A_187 = vector.broadcast %rem3A_186 : i32 to vector<16xi32>
    %broadcast_in_dim3A_188 = arith.constant 501 : i32
    %broadcast_in_dim3A_189 = vector.broadcast %broadcast_in_dim3A_188 : i32 to vector<16xi32>
    %gather3A_190 = tpu.vector_load_idx %arg6[%broadcast_in_dim3A_187, %iota3A, %broadcast_in_dim3A_183] : memref<16x32x128xf32, #tpu.memory_space<vmem>>[vector<16xi32>, vector<16xi32>, vector<16xi32>], vector<16xf32>,
    %gather3A_191 = tpu.vector_load_idx %arg6[%broadcast_in_dim3A_187, %add3A_3, %broadcast_in_dim3A_183] : memref<16x32x128xf32, #tpu.memory_space<vmem>>[vector<16xi32>, vector<16xi32>, vector<16xi32>], vector<16xf32>,
    tpu.vector_store_idx %arg7[%iota3A, %broadcast_in_dim3A_189], %gather3A_190 : memref<32x512xf32, #tpu.memory_space<vmem>>[vector<16xi32>, vector<16xi32>], vector<16xf32>,
    tpu.vector_store_idx %arg7[%add3A_3, %broadcast_in_dim3A_189], %gather3A_191 : memref<32x512xf32, #tpu.memory_space<vmem>>[vector<16xi32>, vector<16xi32>], vector<16xf32>,
    %rem3A_192 = arith.constant 502 : i32
    %rem3A_193 = arith.constant 16 : i32
    %rem3A_194 = arith.remsi %rem3A_192, %rem3A_193 : i32
    %dma_wait3A_195 = arith.constant 0 : i32
    %dma_wait3A_196 = arith.constant 0 : i32
    %dma_wait3A_197 = tpu.memref_slice %arg6[%rem3A_194, %dma_wait3A_195, %dma_wait3A_196] : memref<16x32x128xf32, #tpu.memory_space<vmem>> -> memref<1x32x128xf32, #tpu.memory_space<vmem>>
    %dma_wait3A_198 = tpu.memref_squeeze %dma_wait3A_197 : memref<1x32x128xf32, #tpu.memory_space<vmem>> -> memref<32x128xf32, #tpu.memory_space<vmem>>
    %dma_wait3A_199 = arith.constant 0 : i32
    %dma_wait3A_200 = arith.constant 0 : i32
    %dma_wait3A_201 = tpu.memref_slice %arg3[%dma_wait3A_199, %dma_wait3A_200] : memref<32x1000000xf32, #tpu.memory_space<hbm>> -> memref<32x128xf32, #tpu.memory_space<hbm>>
    %dma_wait3A_202 = arith.constant 0 : i32
    %dma_wait3A_203 = arith.constant 0 : i32
    %dma_wait3A_204 = tpu.memref_slice %arg6[%rem3A_194, %dma_wait3A_202, %dma_wait3A_203] : memref<16x32x128xf32, #tpu.memory_space<vmem>> -> memref<1x32x128xf32, #tpu.memory_space<vmem>>
    %dma_wait3A_205 = tpu.memref_squeeze %dma_wait3A_204 : memref<1x32x128xf32, #tpu.memory_space<vmem>> -> memref<32x128xf32, #tpu.memory_space<vmem>>
    %dma_wait3A_206 = arith.constant 0 : i32
    %dma_wait3A_207 = arith.constant 0 : i32
    %dma_wait3A_208 = tpu.memref_slice %arg3[%dma_wait3A_206, %dma_wait3A_207] : memref<32x1000000xf32, #tpu.memory_space<hbm>> -> memref<32x128xf32, #tpu.memory_space<hbm>>
    tpu.wait_dma2 semaphore(%arg8 : memref<!tpu.dma_semaphore, #tpu.memory_space<semaphore_mem>>) src(%dma_wait3A_208 : memref<32x128xf32, #tpu.memory_space<hbm>>) dst(%dma_wait3A_205 : memref<32x128xf32, #tpu.memory_space<vmem>>)
    %get3A_209 = arith.constant 502 : index
    %get3A_210 = tpu.vector_load %arg5[%get3A_209] {strides = array<i32>} : memref<528xi32, #tpu.memory_space<vmem>>, vector<16xi32>,
    %slice3A_211 = vector.extract_strided_slice %get3A_210 {offsets = [0], sizes = [1], strides = [1]} : vector<16xi32> to vector<1xi32>
    %squeeze3A_212 = vector.extract %slice3A_211[0] : i32 from vector<1xi32>
    %and3A_213 = arith.constant 127 : i32
    %and3A_214 = arith.andi %squeeze3A_212, %and3A_213 : i32
    %broadcast_in_dim3A_215 = vector.broadcast %and3A_214 : i32 to vector<16xi32>
    %rem3A_216 = arith.constant 502 : i32
    %rem3A_217 = arith.constant 16 : i32
    %rem3A_218 = arith.remsi %rem3A_216, %rem3A_217 : i32
    %broadcast_in_dim3A_219 = vector.broadcast %rem3A_218 : i32 to vector<16xi32>
    %broadcast_in_dim3A_220 = arith.constant 502 : i32
    %broadcast_in_dim3A_221 = vector.broadcast %broadcast_in_dim3A_220 : i32 to vector<16xi32>
    %gather3A_222 = tpu.vector_load_idx %arg6[%broadcast_in_dim3A_219, %iota3A, %broadcast_in_dim3A_215] : memref<16x32x128xf32, #tpu.memory_space<vmem>>[vector<16xi32>, vector<16xi32>, vector<16xi32>], vector<16xf32>,
    %gather3A_223 = tpu.vector_load_idx %arg6[%broadcast_in_dim3A_219, %add3A_3, %broadcast_in_dim3A_215] : memref<16x32x128xf32, #tpu.memory_space<vmem>>[vector<16xi32>, vector<16xi32>, vector<16xi32>], vector<16xf32>,
    tpu.vector_store_idx %arg7[%iota3A, %broadcast_in_dim3A_221], %gather3A_222 : memref<32x512xf32, #tpu.memory_space<vmem>>[vector<16xi32>, vector<16xi32>], vector<16xf32>,
    tpu.vector_store_idx %arg7[%add3A_3, %broadcast_in_dim3A_221], %gather3A_223 : memref<32x512xf32, #tpu.memory_space<vmem>>[vector<16xi32>, vector<16xi32>], vector<16xf32>,
    %rem3A_224 = arith.constant 503 : i32
    %rem3A_225 = arith.constant 16 : i32
    %rem3A_226 = arith.remsi %rem3A_224, %rem3A_225 : i32
    %dma_wait3A_227 = arith.constant 0 : i32
    %dma_wait3A_228 = arith.constant 0 : i32
    %dma_wait3A_229 = tpu.memref_slice %arg6[%rem3A_226, %dma_wait3A_227, %dma_wait3A_228] : memref<16x32x128xf32, #tpu.memory_space<vmem>> -> memref<1x32x128xf32, #tpu.memory_space<vmem>>
    %dma_wait3A_230 = tpu.memref_squeeze %dma_wait3A_229 : memref<1x32x128xf32, #tpu.memory_space<vmem>> -> memref<32x128xf32, #tpu.memory_space<vmem>>
    %dma_wait3A_231 = arith.constant 0 : i32
    %dma_wait3A_232 = arith.constant 0 : i32
    %dma_wait3A_233 = tpu.memref_slice %arg3[%dma_wait3A_231, %dma_wait3A_232] : memref<32x1000000xf32, #tpu.memory_space<hbm>> -> memref<32x128xf32, #tpu.memory_space<hbm>>
    %dma_wait3A_234 = arith.constant 0 : i32
    %dma_wait3A_235 = arith.constant 0 : i32
    %dma_wait3A_236 = tpu.memref_slice %arg6[%rem3A_226, %dma_wait3A_234, %dma_wait3A_235] : memref<16x32x128xf32, #tpu.memory_space<vmem>> -> memref<1x32x128xf32, #tpu.memory_space<vmem>>
    %dma_wait3A_237 = tpu.memref_squeeze %dma_wait3A_236 : memref<1x32x128xf32, #tpu.memory_space<vmem>> -> memref<32x128xf32, #tpu.memory_space<vmem>>
    %dma_wait3A_238 = arith.constant 0 : i32
    %dma_wait3A_239 = arith.constant 0 : i32
    %dma_wait3A_240 = tpu.memref_slice %arg3[%dma_wait3A_238, %dma_wait3A_239] : memref<32x1000000xf32, #tpu.memory_space<hbm>> -> memref<32x128xf32, #tpu.memory_space<hbm>>
    tpu.wait_dma2 semaphore(%arg8 : memref<!tpu.dma_semaphore, #tpu.memory_space<semaphore_mem>>) src(%dma_wait3A_240 : memref<32x128xf32, #tpu.memory_space<hbm>>) dst(%dma_wait3A_237 : memref<32x128xf32, #tpu.memory_space<vmem>>)
    %get3A_241 = arith.constant 503 : index
    %get3A_242 = tpu.vector_load %arg5[%get3A_241] {strides = array<i32>} : memref<528xi32, #tpu.memory_space<vmem>>, vector<16xi32>,
    %slice3A_243 = vector.extract_strided_slice %get3A_242 {offsets = [0], sizes = [1], strides = [1]} : vector<16xi32> to vector<1xi32>
    %squeeze3A_244 = vector.extract %slice3A_243[0] : i32 from vector<1xi32>
    %and3A_245 = arith.constant 127 : i32
    %and3A_246 = arith.andi %squeeze3A_244, %and3A_245 : i32
    %broadcast_in_dim3A_247 = vector.broadcast %and3A_246 : i32 to vector<16xi32>
    %rem3A_248 = arith.constant 503 : i32
    %rem3A_249 = arith.constant 16 : i32
    %rem3A_250 = arith.remsi %rem3A_248, %rem3A_249 : i32
    %broadcast_in_dim3A_251 = vector.broadcast %rem3A_250 : i32 to vector<16xi32>
    %broadcast_in_dim3A_252 = arith.constant 503 : i32
    %broadcast_in_dim3A_253 = vector.broadcast %broadcast_in_dim3A_252 : i32 to vector<16xi32>
    %gather3A_254 = tpu.vector_load_idx %arg6[%broadcast_in_dim3A_251, %iota3A, %broadcast_in_dim3A_247] : memref<16x32x128xf32, #tpu.memory_space<vmem>>[vector<16xi32>, vector<16xi32>, vector<16xi32>], vector<16xf32>,
    %gather3A_255 = tpu.vector_load_idx %arg6[%broadcast_in_dim3A_251, %add3A_3, %broadcast_in_dim3A_247] : memref<16x32x128xf32, #tpu.memory_space<vmem>>[vector<16xi32>, vector<16xi32>, vector<16xi32>], vector<16xf32>,
    tpu.vector_store_idx %arg7[%iota3A, %broadcast_in_dim3A_253], %gather3A_254 : memref<32x512xf32, #tpu.memory_space<vmem>>[vector<16xi32>, vector<16xi32>], vector<16xf32>,
    tpu.vector_store_idx %arg7[%add3A_3, %broadcast_in_dim3A_253], %gather3A_255 : memref<32x512xf32, #tpu.memory_space<vmem>>[vector<16xi32>, vector<16xi32>], vector<16xf32>,
    %rem3A_256 = arith.constant 504 : i32
    %rem3A_257 = arith.constant 16 : i32
    %rem3A_258 = arith.remsi %rem3A_256, %rem3A_257 : i32
    %dma_wait3A_259 = arith.constant 0 : i32
    %dma_wait3A_260 = arith.constant 0 : i32
    %dma_wait3A_261 = tpu.memref_slice %arg6[%rem3A_258, %dma_wait3A_259, %dma_wait3A_260] : memref<16x32x128xf32, #tpu.memory_space<vmem>> -> memref<1x32x128xf32, #tpu.memory_space<vmem>>
    %dma_wait3A_262 = tpu.memref_squeeze %dma_wait3A_261 : memref<1x32x128xf32, #tpu.memory_space<vmem>> -> memref<32x128xf32, #tpu.memory_space<vmem>>
    %dma_wait3A_263 = arith.constant 0 : i32
    %dma_wait3A_264 = arith.constant 0 : i32
    %dma_wait3A_265 = tpu.memref_slice %arg3[%dma_wait3A_263, %dma_wait3A_264] : memref<32x1000000xf32, #tpu.memory_space<hbm>> -> memref<32x128xf32, #tpu.memory_space<hbm>>
    %dma_wait3A_266 = arith.constant 0 : i32
    %dma_wait3A_267 = arith.constant 0 : i32
    %dma_wait3A_268 = tpu.memref_slice %arg6[%rem3A_258, %dma_wait3A_266, %dma_wait3A_267] : memref<16x32x128xf32, #tpu.memory_space<vmem>> -> memref<1x32x128xf32, #tpu.memory_space<vmem>>
    %dma_wait3A_269 = tpu.memref_squeeze %dma_wait3A_268 : memref<1x32x128xf32, #tpu.memory_space<vmem>> -> memref<32x128xf32, #tpu.memory_space<vmem>>
    %dma_wait3A_270 = arith.constant 0 : i32
    %dma_wait3A_271 = arith.constant 0 : i32
    %dma_wait3A_272 = tpu.memref_slice %arg3[%dma_wait3A_270, %dma_wait3A_271] : memref<32x1000000xf32, #tpu.memory_space<hbm>> -> memref<32x128xf32, #tpu.memory_space<hbm>>
    tpu.wait_dma2 semaphore(%arg8 : memref<!tpu.dma_semaphore, #tpu.memory_space<semaphore_mem>>) src(%dma_wait3A_272 : memref<32x128xf32, #tpu.memory_space<hbm>>) dst(%dma_wait3A_269 : memref<32x128xf32, #tpu.memory_space<vmem>>)
    %get3A_273 = arith.constant 504 : index
    %get3A_274 = tpu.vector_load %arg5[%get3A_273] {strides = array<i32>} : memref<528xi32, #tpu.memory_space<vmem>>, vector<16xi32>,
    %slice3A_275 = vector.extract_strided_slice %get3A_274 {offsets = [0], sizes = [1], strides = [1]} : vector<16xi32> to vector<1xi32>
    %squeeze3A_276 = vector.extract %slice3A_275[0] : i32 from vector<1xi32>
    %and3A_277 = arith.constant 127 : i32
    %and3A_278 = arith.andi %squeeze3A_276, %and3A_277 : i32
    %broadcast_in_dim3A_279 = vector.broadcast %and3A_278 : i32 to vector<16xi32>
    %rem3A_280 = arith.constant 504 : i32
    %rem3A_281 = arith.constant 16 : i32
    %rem3A_282 = arith.remsi %rem3A_280, %rem3A_281 : i32
    %broadcast_in_dim3A_283 = vector.broadcast %rem3A_282 : i32 to vector<16xi32>
    %broadcast_in_dim3A_284 = arith.constant 504 : i32
    %broadcast_in_dim3A_285 = vector.broadcast %broadcast_in_dim3A_284 : i32 to vector<16xi32>
    %gather3A_286 = tpu.vector_load_idx %arg6[%broadcast_in_dim3A_283, %iota3A, %broadcast_in_dim3A_279] : memref<16x32x128xf32, #tpu.memory_space<vmem>>[vector<16xi32>, vector<16xi32>, vector<16xi32>], vector<16xf32>,
    %gather3A_287 = tpu.vector_load_idx %arg6[%broadcast_in_dim3A_283, %add3A_3, %broadcast_in_dim3A_279] : memref<16x32x128xf32, #tpu.memory_space<vmem>>[vector<16xi32>, vector<16xi32>, vector<16xi32>], vector<16xf32>,
    tpu.vector_store_idx %arg7[%iota3A, %broadcast_in_dim3A_285], %gather3A_286 : memref<32x512xf32, #tpu.memory_space<vmem>>[vector<16xi32>, vector<16xi32>], vector<16xf32>,
    tpu.vector_store_idx %arg7[%add3A_3, %broadcast_in_dim3A_285], %gather3A_287 : memref<32x512xf32, #tpu.memory_space<vmem>>[vector<16xi32>, vector<16xi32>], vector<16xf32>,
    %rem3A_288 = arith.constant 505 : i32
    %rem3A_289 = arith.constant 16 : i32
    %rem3A_290 = arith.remsi %rem3A_288, %rem3A_289 : i32
    %dma_wait3A_291 = arith.constant 0 : i32
    %dma_wait3A_292 = arith.constant 0 : i32
    %dma_wait3A_293 = tpu.memref_slice %arg6[%rem3A_290, %dma_wait3A_291, %dma_wait3A_292] : memref<16x32x128xf32, #tpu.memory_space<vmem>> -> memref<1x32x128xf32, #tpu.memory_space<vmem>>
    %dma_wait3A_294 = tpu.memref_squeeze %dma_wait3A_293 : memref<1x32x128xf32, #tpu.memory_space<vmem>> -> memref<32x128xf32, #tpu.memory_space<vmem>>
    %dma_wait3A_295 = arith.constant 0 : i32
    %dma_wait3A_296 = arith.constant 0 : i32
    %dma_wait3A_297 = tpu.memref_slice %arg3[%dma_wait3A_295, %dma_wait3A_296] : memref<32x1000000xf32, #tpu.memory_space<hbm>> -> memref<32x128xf32, #tpu.memory_space<hbm>>
    %dma_wait3A_298 = arith.constant 0 : i32
    %dma_wait3A_299 = arith.constant 0 : i32
    %dma_wait3A_300 = tpu.memref_slice %arg6[%rem3A_290, %dma_wait3A_298, %dma_wait3A_299] : memref<16x32x128xf32, #tpu.memory_space<vmem>> -> memref<1x32x128xf32, #tpu.memory_space<vmem>>
    %dma_wait3A_301 = tpu.memref_squeeze %dma_wait3A_300 : memref<1x32x128xf32, #tpu.memory_space<vmem>> -> memref<32x128xf32, #tpu.memory_space<vmem>>
    %dma_wait3A_302 = arith.constant 0 : i32
    %dma_wait3A_303 = arith.constant 0 : i32
    %dma_wait3A_304 = tpu.memref_slice %arg3[%dma_wait3A_302, %dma_wait3A_303] : memref<32x1000000xf32, #tpu.memory_space<hbm>> -> memref<32x128xf32, #tpu.memory_space<hbm>>
    tpu.wait_dma2 semaphore(%arg8 : memref<!tpu.dma_semaphore, #tpu.memory_space<semaphore_mem>>) src(%dma_wait3A_304 : memref<32x128xf32, #tpu.memory_space<hbm>>) dst(%dma_wait3A_301 : memref<32x128xf32, #tpu.memory_space<vmem>>)
    %get3A_305 = arith.constant 505 : index
    %get3A_306 = tpu.vector_load %arg5[%get3A_305] {strides = array<i32>} : memref<528xi32, #tpu.memory_space<vmem>>, vector<16xi32>,
    %slice3A_307 = vector.extract_strided_slice %get3A_306 {offsets = [0], sizes = [1], strides = [1]} : vector<16xi32> to vector<1xi32>
    %squeeze3A_308 = vector.extract %slice3A_307[0] : i32 from vector<1xi32>
    %and3A_309 = arith.constant 127 : i32
    %and3A_310 = arith.andi %squeeze3A_308, %and3A_309 : i32
    %broadcast_in_dim3A_311 = vector.broadcast %and3A_310 : i32 to vector<16xi32>
    %rem3A_312 = arith.constant 505 : i32
    %rem3A_313 = arith.constant 16 : i32
    %rem3A_314 = arith.remsi %rem3A_312, %rem3A_313 : i32
    %broadcast_in_dim3A_315 = vector.broadcast %rem3A_314 : i32 to vector<16xi32>
    %broadcast_in_dim3A_316 = arith.constant 505 : i32
    %broadcast_in_dim3A_317 = vector.broadcast %broadcast_in_dim3A_316 : i32 to vector<16xi32>
    %gather3A_318 = tpu.vector_load_idx %arg6[%broadcast_in_dim3A_315, %iota3A, %broadcast_in_dim3A_311] : memref<16x32x128xf32, #tpu.memory_space<vmem>>[vector<16xi32>, vector<16xi32>, vector<16xi32>], vector<16xf32>,
    %gather3A_319 = tpu.vector_load_idx %arg6[%broadcast_in_dim3A_315, %add3A_3, %broadcast_in_dim3A_311] : memref<16x32x128xf32, #tpu.memory_space<vmem>>[vector<16xi32>, vector<16xi32>, vector<16xi32>], vector<16xf32>,
    tpu.vector_store_idx %arg7[%iota3A, %broadcast_in_dim3A_317], %gather3A_318 : memref<32x512xf32, #tpu.memory_space<vmem>>[vector<16xi32>, vector<16xi32>], vector<16xf32>,
    tpu.vector_store_idx %arg7[%add3A_3, %broadcast_in_dim3A_317], %gather3A_319 : memref<32x512xf32, #tpu.memory_space<vmem>>[vector<16xi32>, vector<16xi32>], vector<16xf32>,
    %rem3A_320 = arith.constant 506 : i32
    %rem3A_321 = arith.constant 16 : i32
    %rem3A_322 = arith.remsi %rem3A_320, %rem3A_321 : i32
    %dma_wait3A_323 = arith.constant 0 : i32
    %dma_wait3A_324 = arith.constant 0 : i32
    %dma_wait3A_325 = tpu.memref_slice %arg6[%rem3A_322, %dma_wait3A_323, %dma_wait3A_324] : memref<16x32x128xf32, #tpu.memory_space<vmem>> -> memref<1x32x128xf32, #tpu.memory_space<vmem>>
    %dma_wait3A_326 = tpu.memref_squeeze %dma_wait3A_325 : memref<1x32x128xf32, #tpu.memory_space<vmem>> -> memref<32x128xf32, #tpu.memory_space<vmem>>
    %dma_wait3A_327 = arith.constant 0 : i32
    %dma_wait3A_328 = arith.constant 0 : i32
    %dma_wait3A_329 = tpu.memref_slice %arg3[%dma_wait3A_327, %dma_wait3A_328] : memref<32x1000000xf32, #tpu.memory_space<hbm>> -> memref<32x128xf32, #tpu.memory_space<hbm>>
    %dma_wait3A_330 = arith.constant 0 : i32
    %dma_wait3A_331 = arith.constant 0 : i32
    %dma_wait3A_332 = tpu.memref_slice %arg6[%rem3A_322, %dma_wait3A_330, %dma_wait3A_331] : memref<16x32x128xf32, #tpu.memory_space<vmem>> -> memref<1x32x128xf32, #tpu.memory_space<vmem>>
    %dma_wait3A_333 = tpu.memref_squeeze %dma_wait3A_332 : memref<1x32x128xf32, #tpu.memory_space<vmem>> -> memref<32x128xf32, #tpu.memory_space<vmem>>
    %dma_wait3A_334 = arith.constant 0 : i32
    %dma_wait3A_335 = arith.constant 0 : i32
    %dma_wait3A_336 = tpu.memref_slice %arg3[%dma_wait3A_334, %dma_wait3A_335] : memref<32x1000000xf32, #tpu.memory_space<hbm>> -> memref<32x128xf32, #tpu.memory_space<hbm>>
    tpu.wait_dma2 semaphore(%arg8 : memref<!tpu.dma_semaphore, #tpu.memory_space<semaphore_mem>>) src(%dma_wait3A_336 : memref<32x128xf32, #tpu.memory_space<hbm>>) dst(%dma_wait3A_333 : memref<32x128xf32, #tpu.memory_space<vmem>>)
    %get3A_337 = arith.constant 506 : index
    %get3A_338 = tpu.vector_load %arg5[%get3A_337] {strides = array<i32>} : memref<528xi32, #tpu.memory_space<vmem>>, vector<16xi32>,
    %slice3A_339 = vector.extract_strided_slice %get3A_338 {offsets = [0], sizes = [1], strides = [1]} : vector<16xi32> to vector<1xi32>
    %squeeze3A_340 = vector.extract %slice3A_339[0] : i32 from vector<1xi32>
    %and3A_341 = arith.constant 127 : i32
    %and3A_342 = arith.andi %squeeze3A_340, %and3A_341 : i32
    %broadcast_in_dim3A_343 = vector.broadcast %and3A_342 : i32 to vector<16xi32>
    %rem3A_344 = arith.constant 506 : i32
    %rem3A_345 = arith.constant 16 : i32
    %rem3A_346 = arith.remsi %rem3A_344, %rem3A_345 : i32
    %broadcast_in_dim3A_347 = vector.broadcast %rem3A_346 : i32 to vector<16xi32>
    %broadcast_in_dim3A_348 = arith.constant 506 : i32
    %broadcast_in_dim3A_349 = vector.broadcast %broadcast_in_dim3A_348 : i32 to vector<16xi32>
    %gather3A_350 = tpu.vector_load_idx %arg6[%broadcast_in_dim3A_347, %iota3A, %broadcast_in_dim3A_343] : memref<16x32x128xf32, #tpu.memory_space<vmem>>[vector<16xi32>, vector<16xi32>, vector<16xi32>], vector<16xf32>,
    %gather3A_351 = tpu.vector_load_idx %arg6[%broadcast_in_dim3A_347, %add3A_3, %broadcast_in_dim3A_343] : memref<16x32x128xf32, #tpu.memory_space<vmem>>[vector<16xi32>, vector<16xi32>, vector<16xi32>], vector<16xf32>,
    tpu.vector_store_idx %arg7[%iota3A, %broadcast_in_dim3A_349], %gather3A_350 : memref<32x512xf32, #tpu.memory_space<vmem>>[vector<16xi32>, vector<16xi32>], vector<16xf32>,
    tpu.vector_store_idx %arg7[%add3A_3, %broadcast_in_dim3A_349], %gather3A_351 : memref<32x512xf32, #tpu.memory_space<vmem>>[vector<16xi32>, vector<16xi32>], vector<16xf32>,
    %rem3A_352 = arith.constant 507 : i32
    %rem3A_353 = arith.constant 16 : i32
    %rem3A_354 = arith.remsi %rem3A_352, %rem3A_353 : i32
    %dma_wait3A_355 = arith.constant 0 : i32
    %dma_wait3A_356 = arith.constant 0 : i32
    %dma_wait3A_357 = tpu.memref_slice %arg6[%rem3A_354, %dma_wait3A_355, %dma_wait3A_356] : memref<16x32x128xf32, #tpu.memory_space<vmem>> -> memref<1x32x128xf32, #tpu.memory_space<vmem>>
    %dma_wait3A_358 = tpu.memref_squeeze %dma_wait3A_357 : memref<1x32x128xf32, #tpu.memory_space<vmem>> -> memref<32x128xf32, #tpu.memory_space<vmem>>
    %dma_wait3A_359 = arith.constant 0 : i32
    %dma_wait3A_360 = arith.constant 0 : i32
    %dma_wait3A_361 = tpu.memref_slice %arg3[%dma_wait3A_359, %dma_wait3A_360] : memref<32x1000000xf32, #tpu.memory_space<hbm>> -> memref<32x128xf32, #tpu.memory_space<hbm>>
    %dma_wait3A_362 = arith.constant 0 : i32
    %dma_wait3A_363 = arith.constant 0 : i32
    %dma_wait3A_364 = tpu.memref_slice %arg6[%rem3A_354, %dma_wait3A_362, %dma_wait3A_363] : memref<16x32x128xf32, #tpu.memory_space<vmem>> -> memref<1x32x128xf32, #tpu.memory_space<vmem>>
    %dma_wait3A_365 = tpu.memref_squeeze %dma_wait3A_364 : memref<1x32x128xf32, #tpu.memory_space<vmem>> -> memref<32x128xf32, #tpu.memory_space<vmem>>
    %dma_wait3A_366 = arith.constant 0 : i32
    %dma_wait3A_367 = arith.constant 0 : i32
    %dma_wait3A_368 = tpu.memref_slice %arg3[%dma_wait3A_366, %dma_wait3A_367] : memref<32x1000000xf32, #tpu.memory_space<hbm>> -> memref<32x128xf32, #tpu.memory_space<hbm>>
    tpu.wait_dma2 semaphore(%arg8 : memref<!tpu.dma_semaphore, #tpu.memory_space<semaphore_mem>>) src(%dma_wait3A_368 : memref<32x128xf32, #tpu.memory_space<hbm>>) dst(%dma_wait3A_365 : memref<32x128xf32, #tpu.memory_space<vmem>>)
    %get3A_369 = arith.constant 507 : index
    %get3A_370 = tpu.vector_load %arg5[%get3A_369] {strides = array<i32>} : memref<528xi32, #tpu.memory_space<vmem>>, vector<16xi32>,
    %slice3A_371 = vector.extract_strided_slice %get3A_370 {offsets = [0], sizes = [1], strides = [1]} : vector<16xi32> to vector<1xi32>
    %squeeze3A_372 = vector.extract %slice3A_371[0] : i32 from vector<1xi32>
    %and3A_373 = arith.constant 127 : i32
    %and3A_374 = arith.andi %squeeze3A_372, %and3A_373 : i32
    %broadcast_in_dim3A_375 = vector.broadcast %and3A_374 : i32 to vector<16xi32>
    %rem3A_376 = arith.constant 507 : i32
    %rem3A_377 = arith.constant 16 : i32
    %rem3A_378 = arith.remsi %rem3A_376, %rem3A_377 : i32
    %broadcast_in_dim3A_379 = vector.broadcast %rem3A_378 : i32 to vector<16xi32>
    %broadcast_in_dim3A_380 = arith.constant 507 : i32
    %broadcast_in_dim3A_381 = vector.broadcast %broadcast_in_dim3A_380 : i32 to vector<16xi32>
    %gather3A_382 = tpu.vector_load_idx %arg6[%broadcast_in_dim3A_379, %iota3A, %broadcast_in_dim3A_375] : memref<16x32x128xf32, #tpu.memory_space<vmem>>[vector<16xi32>, vector<16xi32>, vector<16xi32>], vector<16xf32>,
    %gather3A_383 = tpu.vector_load_idx %arg6[%broadcast_in_dim3A_379, %add3A_3, %broadcast_in_dim3A_375] : memref<16x32x128xf32, #tpu.memory_space<vmem>>[vector<16xi32>, vector<16xi32>, vector<16xi32>], vector<16xf32>,
    tpu.vector_store_idx %arg7[%iota3A, %broadcast_in_dim3A_381], %gather3A_382 : memref<32x512xf32, #tpu.memory_space<vmem>>[vector<16xi32>, vector<16xi32>], vector<16xf32>,
    tpu.vector_store_idx %arg7[%add3A_3, %broadcast_in_dim3A_381], %gather3A_383 : memref<32x512xf32, #tpu.memory_space<vmem>>[vector<16xi32>, vector<16xi32>], vector<16xf32>,
    %rem3A_384 = arith.constant 508 : i32
    %rem3A_385 = arith.constant 16 : i32
    %rem3A_386 = arith.remsi %rem3A_384, %rem3A_385 : i32
    %dma_wait3A_387 = arith.constant 0 : i32
    %dma_wait3A_388 = arith.constant 0 : i32
    %dma_wait3A_389 = tpu.memref_slice %arg6[%rem3A_386, %dma_wait3A_387, %dma_wait3A_388] : memref<16x32x128xf32, #tpu.memory_space<vmem>> -> memref<1x32x128xf32, #tpu.memory_space<vmem>>
    %dma_wait3A_390 = tpu.memref_squeeze %dma_wait3A_389 : memref<1x32x128xf32, #tpu.memory_space<vmem>> -> memref<32x128xf32, #tpu.memory_space<vmem>>
    %dma_wait3A_391 = arith.constant 0 : i32
    %dma_wait3A_392 = arith.constant 0 : i32
    %dma_wait3A_393 = tpu.memref_slice %arg3[%dma_wait3A_391, %dma_wait3A_392] : memref<32x1000000xf32, #tpu.memory_space<hbm>> -> memref<32x128xf32, #tpu.memory_space<hbm>>
    %dma_wait3A_394 = arith.constant 0 : i32
    %dma_wait3A_395 = arith.constant 0 : i32
    %dma_wait3A_396 = tpu.memref_slice %arg6[%rem3A_386, %dma_wait3A_394, %dma_wait3A_395] : memref<16x32x128xf32, #tpu.memory_space<vmem>> -> memref<1x32x128xf32, #tpu.memory_space<vmem>>
    %dma_wait3A_397 = tpu.memref_squeeze %dma_wait3A_396 : memref<1x32x128xf32, #tpu.memory_space<vmem>> -> memref<32x128xf32, #tpu.memory_space<vmem>>
    %dma_wait3A_398 = arith.constant 0 : i32
    %dma_wait3A_399 = arith.constant 0 : i32
    %dma_wait3A_400 = tpu.memref_slice %arg3[%dma_wait3A_398, %dma_wait3A_399] : memref<32x1000000xf32, #tpu.memory_space<hbm>> -> memref<32x128xf32, #tpu.memory_space<hbm>>
    tpu.wait_dma2 semaphore(%arg8 : memref<!tpu.dma_semaphore, #tpu.memory_space<semaphore_mem>>) src(%dma_wait3A_400 : memref<32x128xf32, #tpu.memory_space<hbm>>) dst(%dma_wait3A_397 : memref<32x128xf32, #tpu.memory_space<vmem>>)
    %get3A_401 = arith.constant 508 : index
    %get3A_402 = tpu.vector_load %arg5[%get3A_401] {strides = array<i32>} : memref<528xi32, #tpu.memory_space<vmem>>, vector<16xi32>,
    %slice3A_403 = vector.extract_strided_slice %get3A_402 {offsets = [0], sizes = [1], strides = [1]} : vector<16xi32> to vector<1xi32>
    %squeeze3A_404 = vector.extract %slice3A_403[0] : i32 from vector<1xi32>
    %and3A_405 = arith.constant 127 : i32
    %and3A_406 = arith.andi %squeeze3A_404, %and3A_405 : i32
    %broadcast_in_dim3A_407 = vector.broadcast %and3A_406 : i32 to vector<16xi32>
    %rem3A_408 = arith.constant 508 : i32
    %rem3A_409 = arith.constant 16 : i32
    %rem3A_410 = arith.remsi %rem3A_408, %rem3A_409 : i32
    %broadcast_in_dim3A_411 = vector.broadcast %rem3A_410 : i32 to vector<16xi32>
    %broadcast_in_dim3A_412 = arith.constant 508 : i32
    %broadcast_in_dim3A_413 = vector.broadcast %broadcast_in_dim3A_412 : i32 to vector<16xi32>
    %gather3A_414 = tpu.vector_load_idx %arg6[%broadcast_in_dim3A_411, %iota3A, %broadcast_in_dim3A_407] : memref<16x32x128xf32, #tpu.memory_space<vmem>>[vector<16xi32>, vector<16xi32>, vector<16xi32>], vector<16xf32>,
    %gather3A_415 = tpu.vector_load_idx %arg6[%broadcast_in_dim3A_411, %add3A_3, %broadcast_in_dim3A_407] : memref<16x32x128xf32, #tpu.memory_space<vmem>>[vector<16xi32>, vector<16xi32>, vector<16xi32>], vector<16xf32>,
    tpu.vector_store_idx %arg7[%iota3A, %broadcast_in_dim3A_413], %gather3A_414 : memref<32x512xf32, #tpu.memory_space<vmem>>[vector<16xi32>, vector<16xi32>], vector<16xf32>,
    tpu.vector_store_idx %arg7[%add3A_3, %broadcast_in_dim3A_413], %gather3A_415 : memref<32x512xf32, #tpu.memory_space<vmem>>[vector<16xi32>, vector<16xi32>], vector<16xf32>,
    %rem3A_416 = arith.constant 509 : i32
    %rem3A_417 = arith.constant 16 : i32
    %rem3A_418 = arith.remsi %rem3A_416, %rem3A_417 : i32
    %dma_wait3A_419 = arith.constant 0 : i32
    %dma_wait3A_420 = arith.constant 0 : i32
    %dma_wait3A_421 = tpu.memref_slice %arg6[%rem3A_418, %dma_wait3A_419, %dma_wait3A_420] : memref<16x32x128xf32, #tpu.memory_space<vmem>> -> memref<1x32x128xf32, #tpu.memory_space<vmem>>
    %dma_wait3A_422 = tpu.memref_squeeze %dma_wait3A_421 : memref<1x32x128xf32, #tpu.memory_space<vmem>> -> memref<32x128xf32, #tpu.memory_space<vmem>>
    %dma_wait3A_423 = arith.constant 0 : i32
    %dma_wait3A_424 = arith.constant 0 : i32
    %dma_wait3A_425 = tpu.memref_slice %arg3[%dma_wait3A_423, %dma_wait3A_424] : memref<32x1000000xf32, #tpu.memory_space<hbm>> -> memref<32x128xf32, #tpu.memory_space<hbm>>
    %dma_wait3A_426 = arith.constant 0 : i32
    %dma_wait3A_427 = arith.constant 0 : i32
    %dma_wait3A_428 = tpu.memref_slice %arg6[%rem3A_418, %dma_wait3A_426, %dma_wait3A_427] : memref<16x32x128xf32, #tpu.memory_space<vmem>> -> memref<1x32x128xf32, #tpu.memory_space<vmem>>
    %dma_wait3A_429 = tpu.memref_squeeze %dma_wait3A_428 : memref<1x32x128xf32, #tpu.memory_space<vmem>> -> memref<32x128xf32, #tpu.memory_space<vmem>>
    %dma_wait3A_430 = arith.constant 0 : i32
    %dma_wait3A_431 = arith.constant 0 : i32
    %dma_wait3A_432 = tpu.memref_slice %arg3[%dma_wait3A_430, %dma_wait3A_431] : memref<32x1000000xf32, #tpu.memory_space<hbm>> -> memref<32x128xf32, #tpu.memory_space<hbm>>
    tpu.wait_dma2 semaphore(%arg8 : memref<!tpu.dma_semaphore, #tpu.memory_space<semaphore_mem>>) src(%dma_wait3A_432 : memref<32x128xf32, #tpu.memory_space<hbm>>) dst(%dma_wait3A_429 : memref<32x128xf32, #tpu.memory_space<vmem>>)
    %get3A_433 = arith.constant 509 : index
    %get3A_434 = tpu.vector_load %arg5[%get3A_433] {strides = array<i32>} : memref<528xi32, #tpu.memory_space<vmem>>, vector<16xi32>,
    %slice3A_435 = vector.extract_strided_slice %get3A_434 {offsets = [0], sizes = [1], strides = [1]} : vector<16xi32> to vector<1xi32>
    %squeeze3A_436 = vector.extract %slice3A_435[0] : i32 from vector<1xi32>
    %and3A_437 = arith.constant 127 : i32
    %and3A_438 = arith.andi %squeeze3A_436, %and3A_437 : i32
    %broadcast_in_dim3A_439 = vector.broadcast %and3A_438 : i32 to vector<16xi32>
    %rem3A_440 = arith.constant 509 : i32
    %rem3A_441 = arith.constant 16 : i32
    %rem3A_442 = arith.remsi %rem3A_440, %rem3A_441 : i32
    %broadcast_in_dim3A_443 = vector.broadcast %rem3A_442 : i32 to vector<16xi32>
    %broadcast_in_dim3A_444 = arith.constant 509 : i32
    %broadcast_in_dim3A_445 = vector.broadcast %broadcast_in_dim3A_444 : i32 to vector<16xi32>
    %gather3A_446 = tpu.vector_load_idx %arg6[%broadcast_in_dim3A_443, %iota3A, %broadcast_in_dim3A_439] : memref<16x32x128xf32, #tpu.memory_space<vmem>>[vector<16xi32>, vector<16xi32>, vector<16xi32>], vector<16xf32>,
    %gather3A_447 = tpu.vector_load_idx %arg6[%broadcast_in_dim3A_443, %add3A_3, %broadcast_in_dim3A_439] : memref<16x32x128xf32, #tpu.memory_space<vmem>>[vector<16xi32>, vector<16xi32>, vector<16xi32>], vector<16xf32>,
    tpu.vector_store_idx %arg7[%iota3A, %broadcast_in_dim3A_445], %gather3A_446 : memref<32x512xf32, #tpu.memory_space<vmem>>[vector<16xi32>, vector<16xi32>], vector<16xf32>,
    tpu.vector_store_idx %arg7[%add3A_3, %broadcast_in_dim3A_445], %gather3A_447 : memref<32x512xf32, #tpu.memory_space<vmem>>[vector<16xi32>, vector<16xi32>], vector<16xf32>,
    %rem3A_448 = arith.constant 510 : i32
    %rem3A_449 = arith.constant 16 : i32
    %rem3A_450 = arith.remsi %rem3A_448, %rem3A_449 : i32
    %dma_wait3A_451 = arith.constant 0 : i32
    %dma_wait3A_452 = arith.constant 0 : i32
    %dma_wait3A_453 = tpu.memref_slice %arg6[%rem3A_450, %dma_wait3A_451, %dma_wait3A_452] : memref<16x32x128xf32, #tpu.memory_space<vmem>> -> memref<1x32x128xf32, #tpu.memory_space<vmem>>
    %dma_wait3A_454 = tpu.memref_squeeze %dma_wait3A_453 : memref<1x32x128xf32, #tpu.memory_space<vmem>> -> memref<32x128xf32, #tpu.memory_space<vmem>>
    %dma_wait3A_455 = arith.constant 0 : i32
    %dma_wait3A_456 = arith.constant 0 : i32
    %dma_wait3A_457 = tpu.memref_slice %arg3[%dma_wait3A_455, %dma_wait3A_456] : memref<32x1000000xf32, #tpu.memory_space<hbm>> -> memref<32x128xf32, #tpu.memory_space<hbm>>
    %dma_wait3A_458 = arith.constant 0 : i32
    %dma_wait3A_459 = arith.constant 0 : i32
    %dma_wait3A_460 = tpu.memref_slice %arg6[%rem3A_450, %dma_wait3A_458, %dma_wait3A_459] : memref<16x32x128xf32, #tpu.memory_space<vmem>> -> memref<1x32x128xf32, #tpu.memory_space<vmem>>
    %dma_wait3A_461 = tpu.memref_squeeze %dma_wait3A_460 : memref<1x32x128xf32, #tpu.memory_space<vmem>> -> memref<32x128xf32, #tpu.memory_space<vmem>>
    %dma_wait3A_462 = arith.constant 0 : i32
    %dma_wait3A_463 = arith.constant 0 : i32
    %dma_wait3A_464 = tpu.memref_slice %arg3[%dma_wait3A_462, %dma_wait3A_463] : memref<32x1000000xf32, #tpu.memory_space<hbm>> -> memref<32x128xf32, #tpu.memory_space<hbm>>
    tpu.wait_dma2 semaphore(%arg8 : memref<!tpu.dma_semaphore, #tpu.memory_space<semaphore_mem>>) src(%dma_wait3A_464 : memref<32x128xf32, #tpu.memory_space<hbm>>) dst(%dma_wait3A_461 : memref<32x128xf32, #tpu.memory_space<vmem>>)
    %get3A_465 = arith.constant 510 : index
    %get3A_466 = tpu.vector_load %arg5[%get3A_465] {strides = array<i32>} : memref<528xi32, #tpu.memory_space<vmem>>, vector<16xi32>,
    %slice3A_467 = vector.extract_strided_slice %get3A_466 {offsets = [0], sizes = [1], strides = [1]} : vector<16xi32> to vector<1xi32>
    %squeeze3A_468 = vector.extract %slice3A_467[0] : i32 from vector<1xi32>
    %and3A_469 = arith.constant 127 : i32
    %and3A_470 = arith.andi %squeeze3A_468, %and3A_469 : i32
    %broadcast_in_dim3A_471 = vector.broadcast %and3A_470 : i32 to vector<16xi32>
    %rem3A_472 = arith.constant 510 : i32
    %rem3A_473 = arith.constant 16 : i32
    %rem3A_474 = arith.remsi %rem3A_472, %rem3A_473 : i32
    %broadcast_in_dim3A_475 = vector.broadcast %rem3A_474 : i32 to vector<16xi32>
    %broadcast_in_dim3A_476 = arith.constant 510 : i32
    %broadcast_in_dim3A_477 = vector.broadcast %broadcast_in_dim3A_476 : i32 to vector<16xi32>
    %gather3A_478 = tpu.vector_load_idx %arg6[%broadcast_in_dim3A_475, %iota3A, %broadcast_in_dim3A_471] : memref<16x32x128xf32, #tpu.memory_space<vmem>>[vector<16xi32>, vector<16xi32>, vector<16xi32>], vector<16xf32>,
    %gather3A_479 = tpu.vector_load_idx %arg6[%broadcast_in_dim3A_475, %add3A_3, %broadcast_in_dim3A_471] : memref<16x32x128xf32, #tpu.memory_space<vmem>>[vector<16xi32>, vector<16xi32>, vector<16xi32>], vector<16xf32>,
    tpu.vector_store_idx %arg7[%iota3A, %broadcast_in_dim3A_477], %gather3A_478 : memref<32x512xf32, #tpu.memory_space<vmem>>[vector<16xi32>, vector<16xi32>], vector<16xf32>,
    tpu.vector_store_idx %arg7[%add3A_3, %broadcast_in_dim3A_477], %gather3A_479 : memref<32x512xf32, #tpu.memory_space<vmem>>[vector<16xi32>, vector<16xi32>], vector<16xf32>,
    %rem3A_480 = arith.constant 511 : i32
    %rem3A_481 = arith.constant 16 : i32
    %rem3A_482 = arith.remsi %rem3A_480, %rem3A_481 : i32
    %dma_wait3A_483 = arith.constant 0 : i32
    %dma_wait3A_484 = arith.constant 0 : i32
    %dma_wait3A_485 = tpu.memref_slice %arg6[%rem3A_482, %dma_wait3A_483, %dma_wait3A_484] : memref<16x32x128xf32, #tpu.memory_space<vmem>> -> memref<1x32x128xf32, #tpu.memory_space<vmem>>
    %dma_wait3A_486 = tpu.memref_squeeze %dma_wait3A_485 : memref<1x32x128xf32, #tpu.memory_space<vmem>> -> memref<32x128xf32, #tpu.memory_space<vmem>>
    %dma_wait3A_487 = arith.constant 0 : i32
    %dma_wait3A_488 = arith.constant 0 : i32
    %dma_wait3A_489 = tpu.memref_slice %arg3[%dma_wait3A_487, %dma_wait3A_488] : memref<32x1000000xf32, #tpu.memory_space<hbm>> -> memref<32x128xf32, #tpu.memory_space<hbm>>
    %dma_wait3A_490 = arith.constant 0 : i32
    %dma_wait3A_491 = arith.constant 0 : i32
    %dma_wait3A_492 = tpu.memref_slice %arg6[%rem3A_482, %dma_wait3A_490, %dma_wait3A_491] : memref<16x32x128xf32, #tpu.memory_space<vmem>> -> memref<1x32x128xf32, #tpu.memory_space<vmem>>
    %dma_wait3A_493 = tpu.memref_squeeze %dma_wait3A_492 : memref<1x32x128xf32, #tpu.memory_space<vmem>> -> memref<32x128xf32, #tpu.memory_space<vmem>>
    %dma_wait3A_494 = arith.constant 0 : i32
    %dma_wait3A_495 = arith.constant 0 : i32
    %dma_wait3A_496 = tpu.memref_slice %arg3[%dma_wait3A_494, %dma_wait3A_495] : memref<32x1000000xf32, #tpu.memory_space<hbm>> -> memref<32x128xf32, #tpu.memory_space<hbm>>
    tpu.wait_dma2 semaphore(%arg8 : memref<!tpu.dma_semaphore, #tpu.memory_space<semaphore_mem>>) src(%dma_wait3A_496 : memref<32x128xf32, #tpu.memory_space<hbm>>) dst(%dma_wait3A_493 : memref<32x128xf32, #tpu.memory_space<vmem>>)
    %get3A_497 = arith.constant 511 : index
    %get3A_498 = tpu.vector_load %arg5[%get3A_497] {strides = array<i32>} : memref<528xi32, #tpu.memory_space<vmem>>, vector<16xi32>,
    %slice3A_499 = vector.extract_strided_slice %get3A_498 {offsets = [0], sizes = [1], strides = [1]} : vector<16xi32> to vector<1xi32>
    %squeeze3A_500 = vector.extract %slice3A_499[0] : i32 from vector<1xi32>
    %and3A_501 = arith.constant 127 : i32
    %and3A_502 = arith.andi %squeeze3A_500, %and3A_501 : i32
    %broadcast_in_dim3A_503 = vector.broadcast %and3A_502 : i32 to vector<16xi32>
    %rem3A_504 = arith.constant 511 : i32
    %rem3A_505 = arith.constant 16 : i32
    %rem3A_506 = arith.remsi %rem3A_504, %rem3A_505 : i32
    %broadcast_in_dim3A_507 = vector.broadcast %rem3A_506 : i32 to vector<16xi32>
    %broadcast_in_dim3A_508 = arith.constant 511 : i32
    %broadcast_in_dim3A_509 = vector.broadcast %broadcast_in_dim3A_508 : i32 to vector<16xi32>
    %gather3A_510 = tpu.vector_load_idx %arg6[%broadcast_in_dim3A_507, %iota3A, %broadcast_in_dim3A_503] : memref<16x32x128xf32, #tpu.memory_space<vmem>>[vector<16xi32>, vector<16xi32>, vector<16xi32>], vector<16xf32>,
    %gather3A_511 = tpu.vector_load_idx %arg6[%broadcast_in_dim3A_507, %add3A_3, %broadcast_in_dim3A_503] : memref<16x32x128xf32, #tpu.memory_space<vmem>>[vector<16xi32>, vector<16xi32>, vector<16xi32>], vector<16xf32>,
    tpu.vector_store_idx %arg7[%iota3A, %broadcast_in_dim3A_509], %gather3A_510 : memref<32x512xf32, #tpu.memory_space<vmem>>[vector<16xi32>, vector<16xi32>], vector<16xf32>,
    tpu.vector_store_idx %arg7[%add3A_3, %broadcast_in_dim3A_509], %gather3A_511 : memref<32x512xf32, #tpu.memory_space<vmem>>[vector<16xi32>, vector<16xi32>], vector<16xf32>,
    %mul3A_512 = arith.constant 512 : i32
    %mul3A_513 = arith.muli %add3A, %mul3A_512 : i32
    %multiple_of3A = tpu.assume_multiple %mul3A_513, 128 : i32
    "tpu.region"() ({
      %run_scoped3A = tpu.sem_alloc : memref<!tpu.dma_semaphore, #tpu.memory_space<semaphore_mem>>
      %dma_start3A = arith.constant 0 : i32
      %dma_start3A_514 = tpu.memref_slice %arg4[%dma_start3A, %multiple_of3A] : memref<32x16384xf32, #tpu.memory_space<hbm>> -> memref<32x512xf32, #tpu.memory_space<hbm>>
      %dma_start3A_515 = arith.constant 0 : i32
      %dma_start3A_516 = tpu.memref_slice %arg4[%dma_start3A_515, %multiple_of3A] : memref<32x16384xf32, #tpu.memory_space<hbm>> -> memref<32x512xf32, #tpu.memory_space<hbm>>
      tpu.enqueue_dma source(%arg7 : memref<32x512xf32, #tpu.memory_space<vmem>>) target(%dma_start3A_516 : memref<32x512xf32, #tpu.memory_space<hbm>>) target_semaphore(%run_scoped3A : memref<!tpu.dma_semaphore, #tpu.memory_space<semaphore_mem>>)
      %dma_wait3A_517 = arith.constant 0 : i32
      %dma_wait3A_518 = tpu.memref_slice %arg4[%dma_wait3A_517, %multiple_of3A] : memref<32x16384xf32, #tpu.memory_space<hbm>> -> memref<32x512xf32, #tpu.memory_space<hbm>>
      %dma_wait3A_519 = arith.constant 0 : i32
      %dma_wait3A_520 = tpu.memref_slice %arg4[%dma_wait3A_519, %multiple_of3A] : memref<32x16384xf32, #tpu.memory_space<hbm>> -> memref<32x512xf32, #tpu.memory_space<hbm>>
      tpu.wait_dma2 semaphore(%run_scoped3A : memref<!tpu.dma_semaphore, #tpu.memory_space<semaphore_mem>>) src(%arg7 : memref<32x512xf32, #tpu.memory_space<vmem>>) dst(%dma_wait3A_520 : memref<32x512xf32, #tpu.memory_space<hbm>>)
      tpu.yield
    }) : () -> ()
    return
  }
}

</mosaic_0001>

<sc_bundles>
// kernel: kernel.3.cloned.1.call-start
scs
__scs_entry_jumppad:
0x0: {  	(pc) =	sbr.rel $0x88, $3  }
0x1: {  	(tag) =	ssettag $0x0;
	lr =	simm.s32 $0x1  }
0x2: {  	[smem:$0x3F9F] =	sst lr;
	_ =	strace $0xD0000000  }
0x3: {  	_ = 	snop  }
0x4: {  	_ = 	snop  }
0x5: {  	_ = 	snop  }
0x6: {  	_ = 	snop  }
0x7: {  	_ = 	snop  }
__scs_overlays_trampoline_lowered:
0x8: {  	[smem:$0x3FAE] =	sst s0  }
0x9: {  	[smem:$0x3FAF] =	sst s1  }
0xa: {  	[smem:$0x3FB0] =	sst s2  }
0xb: {  	[smem:$0x3FB1] =	sst s3  }
0xc: {  	[smem:$0x3FB2] =	sst s4  }
0xd: {  	[smem:$0x3FB3] =	sst s5  }
0xe: {  	[smem:$0x3FB4] =	sst s6  }
0xf: {  	[smem:$0x3FB5] =	sst s7  }
0x10: {  	[smem:$0x3FB6] =	sst s8  }
0x11: {  	[smem:$0x3FB7] =	sst s9;
	s0 =	simm.s32 @!p0 $0x0  }
0x12: {  	s1 =	sld [smem:$0x3F9D];
	s0 =	simm.s32 @p0 $0x1  }
0x13: {  	[smem:$0x3FB8] =	sst s0;
	s0 =	simm.s32 @!p1 $0x0  }
0x14: {  	s2 =	sld [smem:$0x3F9C];
	s0 =	simm.s32 @p1 $0x1  }
0x15: {  	[smem:$0x3FB9] =	sst s0;
	s0 =	simm.s32 @!p2 $0x0  }
0x16: {  	s3 =	sld [smem:$0x3FDB];
	s0 =	simm.s32 @p2 $0x1  }
0x17: {  	s4 =	simm.s32 $0x1BF5;
	[smem:$0x3FBB] =	sst s0  }
0x18: {  	s0 =	sld [smem:$0x3F9E];
	_ =	swait.ge [sflag:s4], $0x0  }
0x19: {  	s7 =	sld [smem:$0x3F9F]  }
0x1a: {  	s8 =	sadd.s32 $0xFFFFE003, lr  }
0x1b: {  	s9 =	sadd.s32 $0xFFFFFEF7, lr;
	s5 =	simm.s32 $0xFFFFFFFF;
	p2 =	slt.u32 s8, $0xFFFFF086  }
0x1c: {  	p1 =	slt.u32 s9, $0xF7A;
	s5 =	simm.s32 @!p2 $0x0  }
0x1d: {  	s5 =	simm.s32 @p1 $0x1;
	p0 =	seq.s32 s7, s2  }
0x1e: {  	s7 =	smul.u32 @!p0 $0xF7A, s2;
	p2 =	seq.s32 @!p0 s5, $0x0  }
0x1f: {  	s9 =	smul.u32 $0xF7A, s1;
	s8 =	simm.s32 @!p0 $0x1BF5;
	p2 =	por !p2, p0  }
0x20: {  	[sflag:s8] =	ssyncset.s32 @!p0 $0xFFFFF086;
	s6 =	sadd.s32 @!p0 s3, s7;
	s7 =	simm.s32 @!p0 $0x108  }
0x21: {  	s3 =	sadd.s32 s3, s9;
	s6 =	sadd.s32 @!p0 $0x88, s6;
	s7 =	simm.s32 @p2 $0x1082  }
0x22: {  	[simem:s7], [sflag:s8] =	dma.local @!p0 [hbm:s6], $0xF7A  }
0x23: {  	s9 =	sor.u32 $0xD0000000, s2;
	s6 =	simm.s32 $0x108;
	_ =	swait.ge @!p0 [sflag:s8], $0x0  }
0x24: {  	s3 =	sadd.s32 $0x88, s3;
	s6 =	simm.s32 @!p1 $0x1082;
	[sflag:s4] =	ssyncset.s32 $0xFFFFF086  }
0x25: {  	[simem:s6], [sflag:s4] =	dma.local [hbm:s3], $0xF7A  }
0x26: {  	[smem:$0x3F9F] =	sst s1;
	(tag) =	ssettag s2;
	_ =	strace s9  }
0x27: {  	s1 =	sld [smem:$0x3FAF]  }
0x28: {  	s2 =	sld [smem:$0x3FB0]  }
0x29: {  	s4 =	sld [smem:$0x3FB2]  }
0x2a: {  	p0 =	seq.s32 s5, $0x0;
	s5 =	sld [smem:$0x3FB3]  }
0x2b: {  	s6 =	sld [smem:$0x3FB4]  }
0x2c: {  	s7 =	sld [smem:$0x3FB5]  }
0x2d: {  	s3 =	simm.s32 $0x108;
	s8 =	sld [smem:$0x3FB6]  }
0x2e: {  	s3 =	simm.s32 @!p0 $0x1082;
	s9 =	sld [smem:$0x3FB7]  }
0x2f: {  	lr =	sadd.s32 s0, s3;
	s0 =	sld [smem:$0x3FAE]  }
0x30: {  	s3 =	sld [smem:$0x3FB1]  }
0x31: {  	[smem:$0x3FBA] =	sst s10  }
0x32: {  	s10 =	sld [smem:$0x3FB8];
	_ =	sdelay $0x3  }
0x33: {  	p0 =	seq.s32 s10, $0x1;
	s10 =	sld [smem:$0x3FBA];
	_ =	sdelay $0x3  }
0x34: {  	[smem:$0x3FBA] =	sst s10  }
0x35: {  	s10 =	sld [smem:$0x3FB9];
	_ =	sdelay $0x3  }
0x36: {  	p1 =	seq.s32 s10, $0x1;
	s10 =	sld [smem:$0x3FBA];
	_ =	sdelay $0x3  }
0x37: {  	[smem:$0x3FBA] =	sst s10  }
0x38: {  	s10 =	sld [smem:$0x3FBB]  }
0x39: {  	_ = 	snop;
	(pc) =	sbr.ind lr, $3  }
0x3a: {  	_ = 	snop  }
0x3b: {  	_ = 	snop  }
0x3c: {  	p2 =	seq.s32 s10, $0x1;
	s10 =	sld [smem:$0x3FBA]  }
0x3d: {  	_ =	shalt  }
0x3e: {  	_ =	shalt  }
0x3f: {  	_ =	shalt  }
0x40: {  	_ =	shalt  }
0x41: {  	_ =	shalt  }
0x42: {  	_ =	shalt  }
0x43: {  	_ =	shalt  }
0x44: {  	_ =	shalt  }
0x45: {  	_ =	shalt  }
0x46: {  	_ =	shalt  }
0x47: {  	_ =	shalt  }
0x48: {  	_ =	shalt  }
0x49: {  	_ =	shalt  }
0x4a: {  	_ =	shalt  }
0x4b: {  	_ =	shalt  }
0x4c: {  	_ =	shalt  }
0x4d: {  	_ =	shalt  }
0x4e: {  	_ =	shalt  }
0x4f: {  	_ =	shalt  }
0x50: {  	_ =	shalt  }
0x51: {  	_ =	shalt  }
0x52: {  	_ =	shalt  }
0x53: {  	_ =	shalt  }
0x54: {  	_ =	shalt  }
0x55: {  	_ =	shalt  }
0x56: {  	_ =	shalt  }
0x57: {  	_ =	shalt  }
0x58: {  	_ =	shalt  }
0x59: {  	_ =	shalt  }
0x5a: {  	_ =	shalt  }
0x5b: {  	_ =	shalt  }
0x5c: {  	_ =	shalt  }
0x5d: {  	_ =	shalt  }
0x5e: {  	_ =	shalt  }
0x5f: {  	_ =	shalt  }
0x60: {  	_ =	shalt  }
0x61: {  	_ =	shalt  }
0x62: {  	_ =	shalt  }
0x63: {  	_ =	shalt  }
0x64: {  	_ =	shalt  }
0x65: {  	_ =	shalt  }
0x66: {  	_ =	shalt  }
0x67: {  	_ =	shalt  }
0x68: {  	_ =	shalt  }
0x69: {  	_ =	shalt  }
0x6a: {  	_ =	shalt  }
0x6b: {  	_ =	shalt  }
0x6c: {  	_ =	shalt  }
0x6d: {  	_ =	shalt  }
0x6e: {  	_ =	shalt  }
0x6f: {  	_ =	shalt  }
0x70: {  	_ =	shalt  }
0x71: {  	_ =	shalt  }
0x72: {  	_ =	shalt  }
0x73: {  	_ =	shalt  }
0x74: {  	_ =	shalt  }
0x75: {  	_ =	shalt  }
0x76: {  	_ =	shalt  }
0x77: {  	_ =	shalt  }
0x78: {  	_ =	shalt  }
0x79: {  	_ =	shalt  }
0x7a: {  	_ =	shalt  }
0x7b: {  	_ =	shalt  }
0x7c: {  	_ =	shalt  }
0x7d: {  	_ =	shalt  }
0x7e: {  	_ =	shalt  }
0x7f: {  	_ =	shalt  }
0x80: {  	_ =	shalt  }
0x81: {  	_ =	shalt  }
0x82: {  	_ =	shalt  }
0x83: {  	_ =	shalt  }
0x84: {  	_ =	shalt  }
0x85: {  	_ =	shalt  }
0x86: {  	_ =	shalt  }
0x87: {  	_ =	shalt  }
.Lfunc_end0:
.L_simem_size_0:
called_computation_lowered:
.L_overlay_start_0:
0x88: {  	s2 =	sld [smem:$0x3FD9]  }
0x89: {  	s3 =	sld [smem:$0x3FFE];
	_ =	sdelay $0x1  }
0x8a: {  	s1 =	srdreg.scid  }
0x8b: {  	s0 =	sand.u32 $0x1, s1  }
0x8c: {  	s17 =	sshll.u32 s0, $0xA;
	s2 =	sadd.s32 s3, s2  }
0x8d: {  	s2 =	sadd.s32 s2, s17  }
0x8e: {  	[smem:$0x3FC6] =	sst s2  }
0x8f: {  	_ = 	snop  }
0x90: {  	s2 =	sld [smem:$0x3FC8]  }
0x91: {  	s18 =	sld [smem:$0x3FD0];
	(tm) =	ssettm $0x1  }
0x92: {  	s4 =	sld [smem:$0x3FFB];
	_ =	sdelay $0x3  }
0x93: {  	_ =	strace s4  }
0x94: {  	s4 =	sld [smem:$0x3FFC];
	_ =	sdelay $0x3  }
0x95: {  	_ =	strace s4  }
0x96: {  	s4 =	sld [smem:$0x3FFD];
	_ =	sdelay $0x3  }
0x97: {  	_ =	strace s4  }
0x98: {  	_ =	strace $0x8FFFFFFF  }
0x99: {  	s19 =	sld [smem:$0x3FDB];
	_ =	sdelay $0x1  }
0x9a: {  	s5 =	simm.s32 $_scs_section_size  }
0x9b: {  	s6 =	simm.s32 $_size__tile_overlayer_lowered;
	s7 =	simm.s32 $_tile_overlayer_lowered  }
0x9c: {  	s22 =	simm.s32 $0x1BFF;
	s21 =	sshll.u32 s7, $0x1;
	s4 =	sadd.s32 s5, s19  }
0x9d: {  	s8 =	simm.s32 $0x0;
	s20 =	sshll.u32 s6, $0x1;
	s6 =	sadd.s32 s21, s4  }
0x9e: {  	[timem:s8], [sflag:s22] =	dma.local [hbm:s6], s20  }
0x9f: {  	_ =	swait.ge [sflag:s22], s20  }
0xa0: {  	s5 =	ssub.s32 $0x0, s20;
	[sflag:s22] =	ssyncset.done $0x0  }
0xa1: {  	[sflag:s22] =	ssyncadd.s32 s5;
	_ =	sdelay $0x1  }
0xa2: {  	s23 =	simm.s32 $0x1B8B  }
0xa3: {  	_ =	swait.ge [sflag:s23], $0x1  }
0xa4: {  	[sflag:s23] =	ssyncset.done $0x0  }
0xa5: {  	s25 =	simm.s32 $0x1B8E;
	s24 =	sld [smem:$0x3FFE];
	[sflag:s23] =	ssyncadd.s32 $0xFFFFFFFF  }
0xa6: {  	s26 =	simm.s32 $execute0_lowered;
	[smem:$0x3FD2] =	sst s25  }
0xa7: {  	s6 =	sshll.u32 s26, $0x1;
	_ =	strace $0x80000046;
	[dreg:$0x1] =	wrdreg $0xFFFFFFFF  }
0xa8: {  	s28 =	simm.s32 $_size_execute0_lowered;
	s4 =	sadd.s32 s4, s6;
	[dreg:$0x0] =	wrdreg $0x0  }
0xa9: {  	s6 =	sshll.u32 s28, $0x1;
	[dreg:$0x2] =	wrdreg s4  }
0xaa: {  	[dreg:$0x3] =	wrdreg s6  }
0xab: {  	[dreg:$0x4] =	wrdreg $0xC0  }
0xac: {  	_ =	task [dreg:s8], $0x5FFFF  }
0xad: {  	[dreg:$0x1] =	wrdreg $0xFFFFFFFF  }
0xae: {  	[dreg:$0x0] =	wrdreg $0x60  }
0xaf: {  	[dreg:$0x2] =	wrdreg s24  }
0xb0: {  	[dreg:$0x3] =	wrdreg s2  }
0xb1: {  	[dreg:$0x4] =	wrdreg s18  }
0xb2: {  	[dreg:$0x5] =	wrdreg $0x9  }
0xb3: {  	_ =	task.clear_ibuf [dreg:s8], $0x6FFFF;
	_ =	strace $0x90000046  }
0xb4: {  	s29 =	simm.s32 $0x9;
	_ =	strace $0x80000048  }
0xb5: {  	_ =	swait.ge [sflag:s29], $0x1  }
0xb6: {  	[sflag:s29] =	ssyncadd.s32 $0xFFFFFFFF  }
0xb7: {  	_ =	strace $0x90000048  }
0xb8: {  	_ =	sfence  }
0xb9: {  	s30 =	sld [smem:$0x0];
	_ =	sdelay $0x2  }
0xba: {  	s31 =	sshll.u32 s1, $0xD;
	s1 =	sshrl.u32 s1, $0x2  }
0xbb: {  	s3 =	sand.u32 $0x4000, s31;
	s1 =	sadd.s32 s1, s30  }
0xbc: {  	s0 =	sor.u32 s3, s0;
	s1 =	sshll.u32 s1, $0x11  }
0xbd: {  	s0 =	sor.u32 s1, s0  }
0xbe: {  	s0 =	sadd.s32 $0x8F2B, s0  }
0xbf: {  	[sflag:s0] =	ssyncadd.remote.s32 $0x1  }
0xc0: {  	_ =	sfence.sel $0xFFFF  }
0xc1: {  	[dreg:$0x0] =	wrdreg $0xFFFFFFFF;
	(pc) =	sbr.abs _section_cstart, $3  }
0xc2: {  	[dreg:$0x1] =	wrdreg $0xFFFFFFFF  }
0xc3: {  	_ =	task.clear_ibuf [dreg:s8], $0x2FFFF;
	_ =	strace $0x9FFFFFFF  }
0xc4: {  	(tm) =	ssettm $0x7FFFFFFF  }
0xc5: {  	_ =	shalt  }
tec
execute0_lowered:
.L_overlay_start_1:
0x0: {  	(tag) =	ssettag $0x1  }
0x1: {  	v0 =	vimm.s32 $0x1380  }
0x2: {  	vm14 =	vcmask $0x300;
	vm13 =	vcmask $0x704;
	vm12 =	vcmask $0xB08  }
0x3: {  	vm11 =	vcmask $0xF0C;
	vm10 =	vcmask $0x1310;
	vm9 =	vcmask $0x1714  }
0x4: {  	vm8 =	vcmask $0x1B18;
	vm7 =	vcmask $0x1F1C;
	vm6 =	vcmask $0x2320  }
0x5: {  	vm5 =	vcmask $0x2724;
	vm4 =	vcmask $0x2B28;
	vm3 =	vcmask $0x2F2C  }
0x6: {  	v1 =	vlaneseq.u32;
	vm2 =	vcmask $0x3330;
	vm0 =	vcmask $0x3734  }
0x7: {  	vm1 =	vcmask $0x3B38;
	v3 =	vimm.s32 $0x3380;
	v4 =	vimm.s32 $0x1FF0  }
0x8: {  	v5 =	vimm.s32 $0x3FF0;
	v8 =	vimm.s32 $0x1FF2;
	v13 =	vimm.s32 $0x3FF3  }
0x9: {  	v20 =	vimm.s32 $0x1FF5;
	v25 =	vimm.s32 $0x3FF6;
	v32 =	vimm.s32 $0x1FF8  }
0xa: {  	v37 =	vimm.s32 $0x3FF9;
	v44 =	vimm.s32 $0x1FFB;
	v49 =	vimm.s32 $0x3FFC  }
0xb: {  	v56 =	vimm.s32 $0x1FFE;
	v61 =	vimm.s32 $0x3FFF;
	v0 =	vsel vm14, $0x0, v0  }
0xc: {  	v3 =	vsel vm14, $0x2000, v3;
	v4 =	vsel vm14, $0xC70, v4;
	v5 =	vsel vm14, $0x2C70, v5  }
0xd: {  	v8 =	vsel vm14, $0xC72, v8;
	v13 =	vsel vm14, $0x2C73, v13;
	v20 =	vsel vm14, $0xC75, v20  }
0xe: {  	v25 =	vsel vm14, $0x2C76, v25;
	v32 =	vsel vm14, $0xC78, v32;
	v37 =	vsel vm14, $0x2C79, v37  }
0xf: {  	v44 =	vsel vm14, $0xC7B, v44;
	v49 =	vsel vm14, $0x2C7C, v49;
	v4 =	vsel vm13, $0xCF0, v4  }
0x10: {  	v56 =	vsel vm14, $0xC7E, v56;
	v5 =	vsel vm13, $0x2CF0, v5;
	v4 =	vsel vm12, $0xD70, v4  }
0x11: {  	v0 =	vsel vm13, $0x80, v0;
	v5 =	vsel vm12, $0x2D70, v5;
	v4 =	vsel vm11, $0xDF0, v4  }
0x12: {  	v0 =	vsel vm12, $0x100, v0;
	v5 =	vsel vm11, $0x2DF0, v5;
	v4 =	vsel vm10, $0xE70, v4  }
0x13: {  	v0 =	vsel vm11, $0x180, v0;
	v5 =	vsel vm10, $0x2E70, v5;
	v4 =	vsel vm9, $0xEF0, v4  }
0x14: {  	v0 =	vsel vm10, $0x200, v0;
	v5 =	vsel vm9, $0x2EF0, v5;
	v4 =	vsel vm8, $0xF70, v4  }
0x15: {  	v0 =	vsel vm9, $0x280, v0;
	v5 =	vsel vm8, $0x2F70, v5;
	v4 =	vsel vm7, $0xFF0, v4  }
0x16: {  	v0 =	vsel vm8, $0x300, v0;
	v5 =	vsel vm7, $0x2FF0, v5;
	v4 =	vsel vm6, $0x1C70, v4  }
0x17: {  	v0 =	vsel vm7, $0x380, v0;
	v5 =	vsel vm6, $0x3C70, v5;
	v4 =	vsel vm5, $0x1CF0, v4  }
0x18: {  	v0 =	vsel vm6, $0x1000, v0;
	v5 =	vsel vm5, $0x3CF0, v5;
	v4 =	vsel vm4, $0x1D70, v4  }
0x19: {  	v0 =	vsel vm5, $0x1080, v0;
	v5 =	vsel vm4, $0x3D70, v5;
	v4 =	vsel vm3, $0x1DF0, v4  }
0x1a: {  	v0 =	vsel vm4, $0x1100, v0;
	v5 =	vsel vm3, $0x3DF0, v5;
	v4 =	vsel vm2, $0x1E70, v4  }
0x1b: {  	v2 =	vsel vm3, $0x1180, v0;
	v5 =	vsel vm2, $0x3E70, v5;
	v4 =	vsel vm0, $0x1EF0, v4  }
0x1c: {  	v0 =	vmul.u32 $0x80, v1;
	v5 =	vsel vm0, $0x3EF0, v5;
	v4 =	vsel vm1, $0x1F70, v4  }
0x1d: {  	v61 =	vsel vm14, $0x2C7F, v61;
	v3 =	vsel vm13, $0x2080, v3;
	[tilespmem:$0x1FFA0] =	vst v4;
	v4 =	vsel vm1, $0x3F70, v5  }
0x1e: {  	v8 =	vsel vm13, $0xCF2, v8;
	v13 =	vsel vm13, $0x2CF3, v13;
	[tilespmem:$0x1FFB0] =	vst v4;
	v4 =	vor.u32 $0x1000, v0  }
0x1f: {  	v20 =	vsel vm13, $0xCF5, v20;
	v25 =	vsel vm13, $0x2CF6, v25;
	[tilespmem:$0x1FFC0] =	vst v4;
	v4 =	vimm.s32 $0x1FF1  }
0x20: {  	v32 =	vsel vm13, $0xCF8, v32;
	v5 =	vimm.s32 $0x3FF1;
	v4 =	vsel vm14, $0xC71, v4  }
0x21: {  	v37 =	vsel vm13, $0x2CF9, v37;
	v5 =	vsel vm14, $0x2C71, v5;
	v4 =	vsel vm13, $0xCF1, v4  }
0x22: {  	v44 =	vsel vm13, $0xCFB, v44;
	v5 =	vsel vm13, $0x2CF1, v5;
	v4 =	vsel vm12, $0xD71, v4  }
0x23: {  	v49 =	vsel vm13, $0x2CFC, v49;
	v5 =	vsel vm12, $0x2D71, v5;
	v4 =	vsel vm11, $0xDF1, v4  }
0x24: {  	v56 =	vsel vm13, $0xCFE, v56;
	v5 =	vsel vm11, $0x2DF1, v5;
	v4 =	vsel vm10, $0xE71, v4  }
0x25: {  	v61 =	vsel vm13, $0x2CFF, v61;
	v5 =	vsel vm10, $0x2E71, v5;
	v4 =	vsel vm9, $0xEF1, v4  }
0x26: {  	v8 =	vsel vm12, $0xD72, v8;
	v5 =	vsel vm9, $0x2EF1, v5;
	v4 =	vsel vm8, $0xF71, v4  }
0x27: {  	v8 =	vsel vm11, $0xDF2, v8;
	v5 =	vsel vm8, $0x2F71, v5;
	v4 =	vsel vm7, $0xFF1, v4  }
0x28: {  	v8 =	vsel vm10, $0xE72, v8;
	v5 =	vsel vm7, $0x2FF1, v5;
	v4 =	vsel vm6, $0x1C71, v4  }
0x29: {  	v8 =	vsel vm9, $0xEF2, v8;
	v5 =	vsel vm6, $0x3C71, v5;
	v4 =	vsel vm5, $0x1CF1, v4  }
0x2a: {  	v8 =	vsel vm8, $0xF72, v8;
	v5 =	vsel vm5, $0x3CF1, v5;
	v4 =	vsel vm4, $0x1D71, v4  }
0x2b: {  	v8 =	vsel vm7, $0xFF2, v8;
	v5 =	vsel vm4, $0x3D71, v5;
	v4 =	vsel vm3, $0x1DF1, v4  }
0x2c: {  	v8 =	vsel vm6, $0x1C72, v8;
	v5 =	vsel vm3, $0x3DF1, v5;
	v4 =	vsel vm2, $0x1E71, v4  }
0x2d: {  	v8 =	vsel vm5, $0x1CF2, v8;
	v5 =	vsel vm2, $0x3E71, v5;
	v4 =	vsel vm0, $0x1EF1, v4  }
0x2e: {  	v8 =	vsel vm4, $0x1D72, v8;
	v5 =	vsel vm0, $0x3EF1, v5;
	v4 =	vsel vm1, $0x1F71, v4  }
0x2f: {  	v3 =	vsel vm12, $0x2100, v3;
	v10 =	vsel vm3, $0x1DF2, v8;
	[tilespmem:$0x1FFE0] =	vst v4;
	v4 =	vsel vm1, $0x3F71, v5  }
0x30: {  	v13 =	vsel vm12, $0x2D73, v13;
	v20 =	vsel vm12, $0xD75, v20;
	[tilespmem:$0x1FFF0] =	vst v4;
	v4 =	vsel vm2, $0x1E72, v10  }
0x31: {  	v25 =	vsel vm12, $0x2D76, v25;
	v5 =	vimm.s32 $0x3FF2;
	v4 =	vsel vm0, $0x1EF2, v4  }
0x32: {  	v32 =	vsel vm12, $0xD78, v32;
	v12 =	vsel vm1, $0x1F72, v4;
	v4 =	vsel vm14, $0x2C72, v5  }
0x33: {  	v37 =	vsel vm12, $0x2D79, v37;
	v5 =	vimm.s32 $0x1FF3;
	v4 =	vsel vm13, $0x2CF2, v4  }
0x34: {  	v44 =	vsel vm12, $0xD7B, v44;
	v5 =	vsel vm14, $0xC73, v5;
	v4 =	vsel vm12, $0x2D72, v4  }
0x35: {  	v49 =	vsel vm12, $0x2D7C, v49;
	v5 =	vsel vm13, $0xCF3, v5;
	v4 =	vsel vm11, $0x2DF2, v4  }
0x36: {  	v56 =	vsel vm12, $0xD7E, v56;
	v5 =	vsel vm12, $0xD73, v5;
	v4 =	vsel vm10, $0x2E72, v4  }
0x37: {  	v61 =	vsel vm12, $0x2D7F, v61;
	v5 =	vsel vm11, $0xDF3, v5;
	v4 =	vsel vm9, $0x2EF2, v4  }
0x38: {  	v13 =	vsel vm11, $0x2DF3, v13;
	v5 =	vsel vm10, $0xE73, v5;
	v4 =	vsel vm8, $0x2F72, v4  }
0x39: {  	v13 =	vsel vm10, $0x2E73, v13;
	v5 =	vsel vm9, $0xEF3, v5;
	v4 =	vsel vm7, $0x2FF2, v4  }
0x3a: {  	v13 =	vsel vm9, $0x2EF3, v13;
	v5 =	vsel vm8, $0xF73, v5;
	v4 =	vsel vm6, $0x3C72, v4  }
0x3b: {  	v13 =	vsel vm8, $0x2F73, v13;
	v5 =	vsel vm7, $0xFF3, v5;
	v4 =	vsel vm5, $0x3CF2, v4  }
0x3c: {  	v13 =	vsel vm7, $0x2FF3, v13;
	v5 =	vsel vm6, $0x1C73, v5;
	v4 =	vsel vm4, $0x3D72, v4  }
0x3d: {  	v13 =	vsel vm6, $0x3C73, v13;
	v5 =	vsel vm5, $0x1CF3, v5;
	v4 =	vsel vm3, $0x3DF2, v4  }
0x3e: {  	v13 =	vsel vm5, $0x3CF3, v13;
	v5 =	vsel vm4, $0x1D73, v5;
	v4 =	vsel vm2, $0x3E72, v4  }
0x3f: {  	v13 =	vsel vm4, $0x3D73, v13;
	v5 =	vsel vm3, $0x1DF3, v5;
	v4 =	vsel vm0, $0x3EF2, v4  }
0x40: {  	v14 =	vsel vm3, $0x3DF3, v13;
	v13 =	vsel vm1, $0x3F72, v4;
	v4 =	vsel vm2, $0x1E73, v5  }
0x41: {  	v3 =	vsel vm11, $0x2180, v3;
	v5 =	vsel vm2, $0x3E73, v14;
	v4 =	vsel vm0, $0x1EF3, v4  }
0x42: {  	v5 =	vsel vm0, $0x3EF3, v5;
	v16 =	vsel vm1, $0x1F73, v4;
	v4 =	vimm.s32 $0x1FF4  }
0x43: {  	v17 =	vsel vm1, $0x3F73, v5;
	v5 =	vimm.s32 $0x3FF4;
	v4 =	vsel vm14, $0xC74, v4  }
0x44: {  	v20 =	vsel vm11, $0xDF5, v20;
	v5 =	vsel vm14, $0x2C74, v5;
	v4 =	vsel vm13, $0xCF4, v4  }
0x45: {  	v25 =	vsel vm11, $0x2DF6, v25;
	v5 =	vsel vm13, $0x2CF4, v5;
	v4 =	vsel vm12, $0xD74, v4  }
0x46: {  	v32 =	vsel vm11, $0xDF8, v32;
	v5 =	vsel vm12, $0x2D74, v5;
	v4 =	vsel vm11, $0xDF4, v4  }
0x47: {  	v37 =	vsel vm11, $0x2DF9, v37;
	v5 =	vsel vm11, $0x2DF4, v5;
	v4 =	vsel vm10, $0xE74, v4  }
0x48: {  	v44 =	vsel vm11, $0xDFB, v44;
	v5 =	vsel vm10, $0x2E74, v5;
	v4 =	vsel vm9, $0xEF4, v4  }
0x49: {  	v20 =	vsel vm10, $0xE75, v20;
	v5 =	vsel vm9, $0x2EF4, v5;
	v4 =	vsel vm8, $0xF74, v4  }
0x4a: {  	v20 =	vsel vm9, $0xEF5, v20;
	v5 =	vsel vm8, $0x2F74, v5;
	v4 =	vsel vm7, $0xFF4, v4  }
0x4b: {  	v20 =	vsel vm8, $0xF75, v20;
	v5 =	vsel vm7, $0x2FF4, v5;
	v4 =	vsel vm6, $0x1C74, v4  }
0x4c: {  	v20 =	vsel vm7, $0xFF5, v20;
	v5 =	vsel vm6, $0x3C74, v5;
	v4 =	vsel vm5, $0x1CF4, v4  }
0x4d: {  	v20 =	vsel vm6, $0x1C75, v20;
	v5 =	vsel vm5, $0x3CF4, v5;
	v4 =	vsel vm4, $0x1D74, v4  }
0x4e: {  	v20 =	vsel vm5, $0x1CF5, v20;
	v5 =	vsel vm4, $0x3D74, v5;
	v4 =	vsel vm3, $0x1DF4, v4  }
0x4f: {  	v20 =	vsel vm4, $0x1D75, v20;
	v5 =	vsel vm3, $0x3DF4, v5;
	v4 =	vsel vm2, $0x1E74, v4  }
0x50: {  	v22 =	vsel vm3, $0x1DF5, v20;
	v5 =	vsel vm2, $0x3E74, v5;
	v4 =	vsel vm0, $0x1EF4, v4  }
0x51: {  	v5 =	vsel vm0, $0x3EF4, v5;
	v20 =	vsel vm1, $0x1F74, v4;
	v4 =	vsel vm2, $0x1E75, v22  }
0x52: {  	v21 =	vsel vm1, $0x3F74, v5;
	v5 =	vimm.s32 $0x3FF5;
	v4 =	vsel vm0, $0x1EF5, v4  }
0x53: {  	v49 =	vsel vm11, $0x2DFC, v49;
	v24 =	vsel vm1, $0x1F75, v4;
	v4 =	vsel vm14, $0x2C75, v5  }
0x54: {  	v56 =	vsel vm11, $0xDFE, v56;
	v5 =	vimm.s32 $0x1FF6;
	v4 =	vsel vm13, $0x2CF5, v4  }
0x55: {  	v61 =	vsel vm11, $0x2DFF, v61;
	v5 =	vsel vm14, $0xC76, v5;
	v4 =	vsel vm12, $0x2D75, v4  }
0x56: {  	v3 =	vsel vm10, $0x2200, v3;
	v5 =	vsel vm13, $0xCF6, v5;
	v4 =	vsel vm11, $0x2DF5, v4  }
0x57: {  	v25 =	vsel vm10, $0x2E76, v25;
	v5 =	vsel vm12, $0xD76, v5;
	v4 =	vsel vm10, $0x2E75, v4  }
0x58: {  	v32 =	vsel vm10, $0xE78, v32;
	v5 =	vsel vm11, $0xDF6, v5;
	v4 =	vsel vm9, $0x2EF5, v4  }
0x59: {  	v37 =	vsel vm10, $0x2E79, v37;
	v5 =	vsel vm10, $0xE76, v5;
	v4 =	vsel vm8, $0x2F75, v4  }
0x5a: {  	v44 =	vsel vm10, $0xE7B, v44;
	v5 =	vsel vm9, $0xEF6, v5;
	v4 =	vsel vm7, $0x2FF5, v4  }
0x5b: {  	v25 =	vsel vm9, $0x2EF6, v25;
	v5 =	vsel vm8, $0xF76, v5;
	v4 =	vsel vm6, $0x3C75, v4  }
0x5c: {  	v25 =	vsel vm8, $0x2F76, v25;
	v5 =	vsel vm7, $0xFF6, v5;
	v4 =	vsel vm5, $0x3CF5, v4  }
0x5d: {  	v25 =	vsel vm7, $0x2FF6, v25;
	v5 =	vsel vm6, $0x1C76, v5;
	v4 =	vsel vm4, $0x3D75, v4  }
0x5e: {  	v25 =	vsel vm6, $0x3C76, v25;
	v5 =	vsel vm5, $0x1CF6, v5;
	v4 =	vsel vm3, $0x3DF5, v4  }
0x5f: {  	v25 =	vsel vm5, $0x3CF6, v25;
	v5 =	vsel vm4, $0x1D76, v5;
	v4 =	vsel vm2, $0x3E75, v4  }
0x60: {  	v25 =	vsel vm4, $0x3D76, v25;
	v5 =	vsel vm3, $0x1DF6, v5;
	v4 =	vsel vm0, $0x3EF5, v4  }
0x61: {  	v26 =	vsel vm3, $0x3DF6, v25;
	v25 =	vsel vm1, $0x3F75, v4;
	v4 =	vsel vm2, $0x1E76, v5  }
0x62: {  	v49 =	vsel vm10, $0x2E7C, v49;
	v5 =	vsel vm2, $0x3E76, v26;
	v4 =	vsel vm0, $0x1EF6, v4  }
0x63: {  	v5 =	vsel vm0, $0x3EF6, v5;
	v28 =	vsel vm1, $0x1F76, v4;
	v4 =	vimm.s32 $0x1FF7  }
0x64: {  	v29 =	vsel vm1, $0x3F76, v5;
	v5 =	vimm.s32 $0x3FF7;
	v4 =	vsel vm14, $0xC77, v4  }
0x65: {  	v56 =	vsel vm10, $0xE7E, v56;
	v5 =	vsel vm14, $0x2C77, v5;
	v4 =	vsel vm13, $0xCF7, v4  }
0x66: {  	v61 =	vsel vm10, $0x2E7F, v61;
	v5 =	vsel vm13, $0x2CF7, v5;
	v4 =	vsel vm12, $0xD77, v4  }
0x67: {  	v3 =	vsel vm9, $0x2280, v3;
	v5 =	vsel vm12, $0x2D77, v5;
	v4 =	vsel vm11, $0xDF7, v4  }
0x68: {  	v32 =	vsel vm9, $0xEF8, v32;
	v5 =	vsel vm11, $0x2DF7, v5;
	v4 =	vsel vm10, $0xE77, v4  }
0x69: {  	v37 =	vsel vm9, $0x2EF9, v37;
	v5 =	vsel vm10, $0x2E77, v5;
	v4 =	vsel vm9, $0xEF7, v4  }
0x6a: {  	v44 =	vsel vm9, $0xEFB, v44;
	v5 =	vsel vm9, $0x2EF7, v5;
	v4 =	vsel vm8, $0xF77, v4  }
0x6b: {  	v49 =	vsel vm9, $0x2EFC, v49;
	v5 =	vsel vm8, $0x2F77, v5;
	v4 =	vsel vm7, $0xFF7, v4  }
0x6c: {  	v32 =	vsel vm8, $0xF78, v32;
	v5 =	vsel vm7, $0x2FF7, v5;
	v4 =	vsel vm6, $0x1C77, v4  }
0x6d: {  	v32 =	vsel vm7, $0xFF8, v32;
	v5 =	vsel vm6, $0x3C77, v5;
	v4 =	vsel vm5, $0x1CF7, v4  }
0x6e: {  	v32 =	vsel vm6, $0x1C78, v32;
	v5 =	vsel vm5, $0x3CF7, v5;
	v4 =	vsel vm4, $0x1D77, v4  }
0x6f: {  	v32 =	vsel vm5, $0x1CF8, v32;
	v5 =	vsel vm4, $0x3D77, v5;
	v4 =	vsel vm3, $0x1DF7, v4  }
0x70: {  	v32 =	vsel vm4, $0x1D78, v32;
	v5 =	vsel vm3, $0x3DF7, v5;
	v4 =	vsel vm2, $0x1E77, v4  }
0x71: {  	v34 =	vsel vm3, $0x1DF8, v32;
	v5 =	vsel vm2, $0x3E77, v5;
	v4 =	vsel vm0, $0x1EF7, v4  }
0x72: {  	v5 =	vsel vm0, $0x3EF7, v5;
	v32 =	vsel vm1, $0x1F77, v4;
	v4 =	vsel vm2, $0x1E78, v34  }
0x73: {  	v33 =	vsel vm1, $0x3F77, v5;
	v5 =	vimm.s32 $0x3FF8;
	v4 =	vsel vm0, $0x1EF8, v4  }
0x74: {  	v56 =	vsel vm9, $0xEFE, v56;
	v36 =	vsel vm1, $0x1F78, v4;
	v4 =	vsel vm14, $0x2C78, v5  }
0x75: {  	v61 =	vsel vm9, $0x2EFF, v61;
	v5 =	vimm.s32 $0x1FF9;
	v4 =	vsel vm13, $0x2CF8, v4  }
0x76: {  	v3 =	vsel vm8, $0x2300, v3;
	v5 =	vsel vm14, $0xC79, v5;
	v4 =	vsel vm12, $0x2D78, v4  }
0x77: {  	v37 =	vsel vm8, $0x2F79, v37;
	v5 =	vsel vm13, $0xCF9, v5;
	v4 =	vsel vm11, $0x2DF8, v4  }
0x78: {  	v44 =	vsel vm8, $0xF7B, v44;
	v5 =	vsel vm12, $0xD79, v5;
	v4 =	vsel vm10, $0x2E78, v4  }
0x79: {  	v49 =	vsel vm8, $0x2F7C, v49;
	v5 =	vsel vm11, $0xDF9, v5;
	v4 =	vsel vm9, $0x2EF8, v4  }
0x7a: {  	v56 =	vsel vm8, $0xF7E, v56;
	v5 =	vsel vm10, $0xE79, v5;
	v4 =	vsel vm8, $0x2F78, v4  }
0x7b: {  	v61 =	vsel vm8, $0x2F7F, v61;
	v5 =	vsel vm9, $0xEF9, v5;
	v4 =	vsel vm7, $0x2FF8, v4  }
0x7c: {  	v3 =	vsel vm7, $0x2380, v3;
	v5 =	vsel vm8, $0xF79, v5;
	v4 =	vsel vm6, $0x3C78, v4  }
0x7d: {  	v37 =	vsel vm7, $0x2FF9, v37;
	v5 =	vsel vm7, $0xFF9, v5;
	v4 =	vsel vm5, $0x3CF8, v4  }
0x7e: {  	v44 =	vsel vm7, $0xFFB, v44;
	v5 =	vsel vm6, $0x1C79, v5;
	v4 =	vsel vm4, $0x3D78, v4  }
0x7f: {  	v37 =	vsel vm6, $0x3C79, v37;
	v5 =	vsel vm5, $0x1CF9, v5;
	v4 =	vsel vm3, $0x3DF8, v4  }
0x80: {  	v37 =	vsel vm5, $0x3CF9, v37;
	v5 =	vsel vm4, $0x1D79, v5;
	v4 =	vsel vm2, $0x3E78, v4  }
0x81: {  	v37 =	vsel vm4, $0x3D79, v37;
	v5 =	vsel vm3, $0x1DF9, v5;
	v4 =	vsel vm0, $0x3EF8, v4  }
0x82: {  	v38 =	vsel vm3, $0x3DF9, v37;
	v37 =	vsel vm1, $0x3F78, v4;
	v4 =	vsel vm2, $0x1E79, v5  }
0x83: {  	v49 =	vsel vm7, $0x2FFC, v49;
	v5 =	vsel vm2, $0x3E79, v38;
	v4 =	vsel vm0, $0x1EF9, v4  }
0x84: {  	v5 =	vsel vm0, $0x3EF9, v5;
	v40 =	vsel vm1, $0x1F79, v4;
	v4 =	vimm.s32 $0x1FFA  }
0x85: {  	v41 =	vsel vm1, $0x3F79, v5;
	v5 =	vimm.s32 $0x3FFA;
	v4 =	vsel vm14, $0xC7A, v4  }
0x86: {  	v56 =	vsel vm7, $0xFFE, v56;
	v5 =	vsel vm14, $0x2C7A, v5;
	v4 =	vsel vm13, $0xCFA, v4  }
0x87: {  	v61 =	vsel vm7, $0x2FFF, v61;
	v5 =	vsel vm13, $0x2CFA, v5;
	v4 =	vsel vm12, $0xD7A, v4  }
0x88: {  	v3 =	vsel vm6, $0x3000, v3;
	v5 =	vsel vm12, $0x2D7A, v5;
	v4 =	vsel vm11, $0xDFA, v4  }
0x89: {  	v44 =	vsel vm6, $0x1C7B, v44;
	v5 =	vsel vm11, $0x2DFA, v5;
	v4 =	vsel vm10, $0xE7A, v4  }
0x8a: {  	v49 =	vsel vm6, $0x3C7C, v49;
	v5 =	vsel vm10, $0x2E7A, v5;
	v4 =	vsel vm9, $0xEFA, v4  }
0x8b: {  	v56 =	vsel vm6, $0x1C7E, v56;
	v5 =	vsel vm9, $0x2EFA, v5;
	v4 =	vsel vm8, $0xF7A, v4  }
0x8c: {  	v61 =	vsel vm6, $0x3C7F, v61;
	v5 =	vsel vm8, $0x2F7A, v5;
	v4 =	vsel vm7, $0xFFA, v4  }
0x8d: {  	v3 =	vsel vm5, $0x3080, v3;
	v5 =	vsel vm7, $0x2FFA, v5;
	v4 =	vsel vm6, $0x1C7A, v4  }
0x8e: {  	v44 =	vsel vm5, $0x1CFB, v44;
	v5 =	vsel vm6, $0x3C7A, v5;
	v4 =	vsel vm5, $0x1CFA, v4  }
0x8f: {  	v49 =	vsel vm5, $0x3CFC, v49;
	v5 =	vsel vm5, $0x3CFA, v5;
	v4 =	vsel vm4, $0x1D7A, v4  }
0x90: {  	v56 =	vsel vm5, $0x1CFE, v56;
	v5 =	vsel vm4, $0x3D7A, v5;
	v4 =	vsel vm3, $0x1DFA, v4  }
0x91: {  	v44 =	vsel vm4, $0x1D7B, v44;
	v5 =	vsel vm3, $0x3DFA, v5;
	v4 =	vsel vm2, $0x1E7A, v4  }
0x92: {  	v46 =	vsel vm3, $0x1DFB, v44;
	v5 =	vsel vm2, $0x3E7A, v5;
	v4 =	vsel vm0, $0x1EFA, v4  }
0x93: {  	v5 =	vsel vm0, $0x3EFA, v5;
	v44 =	vsel vm1, $0x1F7A, v4;
	v4 =	vsel vm2, $0x1E7B, v46  }
0x94: {  	v45 =	vsel vm1, $0x3F7A, v5;
	v5 =	vimm.s32 $0x3FFB;
	v4 =	vsel vm0, $0x1EFB, v4  }
0x95: {  	v61 =	vsel vm5, $0x3CFF, v61;
	v48 =	vsel vm1, $0x1F7B, v4;
	v4 =	vsel vm14, $0x2C7B, v5  }
0x96: {  	v3 =	vsel vm4, $0x3100, v3;
	v5 =	vimm.s32 $0x1FFC;
	v4 =	vsel vm13, $0x2CFB, v4  }
0x97: {  	v49 =	vsel vm4, $0x3D7C, v49;
	v5 =	vsel vm14, $0xC7C, v5;
	v4 =	vsel vm12, $0x2D7B, v4  }
0x98: {  	v56 =	vsel vm4, $0x1D7E, v56;
	v5 =	vsel vm13, $0xCFC, v5;
	v4 =	vsel vm11, $0x2DFB, v4  }
0x99: {  	v61 =	vsel vm4, $0x3D7F, v61;
	v5 =	vsel vm12, $0xD7C, v5;
	v4 =	vsel vm10, $0x2E7B, v4  }
0x9a: {  	v3 =	vsel vm3, $0x3180, v3;
	v5 =	vsel vm11, $0xDFC, v5;
	v4 =	vsel vm9, $0x2EFB, v4  }
0x9b: {  	v50 =	vsel vm3, $0x3DFC, v49;
	v5 =	vsel vm10, $0xE7C, v5;
	v4 =	vsel vm8, $0x2F7B, v4  }
0x9c: {  	v58 =	vsel vm3, $0x1DFE, v56;
	v5 =	vsel vm9, $0xEFC, v5;
	v4 =	vsel vm7, $0x2FFB, v4  }
0x9d: {  	v61 =	vsel vm3, $0x3DFF, v61;
	v5 =	vsel vm8, $0xF7C, v5;
	v4 =	vsel vm6, $0x3C7B, v4  }
0x9e: {  	v1 =	vsel vm2, $0x1200, v2;
	v5 =	vsel vm7, $0xFFC, v5;
	v4 =	vsel vm5, $0x3CFB, v4  }
0x9f: {  	v3 =	vsel vm2, $0x3200, v3;
	v5 =	vsel vm6, $0x1C7C, v5;
	v4 =	vsel vm4, $0x3D7B, v4  }
0xa0: {  	v63 =	vsel vm2, $0x3E7F, v61;
	v5 =	vsel vm5, $0x1CFC, v5;
	v4 =	vsel vm3, $0x3DFB, v4  }
0xa1: {  	v2 =	vsel vm0, $0x1280, v1;
	v5 =	vsel vm4, $0x1D7C, v5;
	v4 =	vsel vm2, $0x3E7B, v4  }
0xa2: {  	v1 =	vor.u32 $0x800, v0;
	v5 =	vsel vm3, $0x1DFC, v5;
	v4 =	vsel vm0, $0x3EFB, v4  }
0xa3: {  	v3 =	vsel vm0, $0x3280, v3;
	v49 =	vsel vm1, $0x3F7B, v4;
	v4 =	vsel vm2, $0x1E7C, v5  }
0xa4: {  	v6 =	vor.u32 $0x1800, v0;
	v5 =	vsel vm2, $0x3E7C, v50;
	v4 =	vsel vm0, $0x1EFC, v4  }
0xa5: {  	v5 =	vsel vm0, $0x3EFC, v5;
	v52 =	vsel vm1, $0x1F7C, v4;
	v4 =	vimm.s32 $0x1FFD  }
0xa6: {  	v53 =	vsel vm1, $0x3F7C, v5;
	v5 =	vimm.s32 $0x3FFD;
	v4 =	vsel vm14, $0xC7D, v4  }
0xa7: {  	v11 =	vor.u32 $0x2800, v0;
	v5 =	vsel vm14, $0x2C7D, v5;
	v4 =	vsel vm13, $0xCFD, v4  }
0xa8: {  	v15 =	vor.u32 $0x3800, v0;
	v5 =	vsel vm13, $0x2CFD, v5;
	v4 =	vsel vm12, $0xD7D, v4  }
0xa9: {  	v18 =	vor.u32 $0x4000, v0;
	v5 =	vsel vm12, $0x2D7D, v5;
	v4 =	vsel vm11, $0xDFD, v4  }
0xaa: {  	v19 =	vor.u32 $0x4800, v0;
	v5 =	vsel vm11, $0x2DFD, v5;
	v4 =	vsel vm10, $0xE7D, v4  }
0xab: {  	v23 =	vor.u32 $0x5800, v0;
	v5 =	vsel vm10, $0x2E7D, v5;
	v4 =	vsel vm9, $0xEFD, v4  }
0xac: {  	v27 =	vor.u32 $0x6800, v0;
	v5 =	vsel vm9, $0x2EFD, v5;
	v4 =	vsel vm8, $0xF7D, v4  }
0xad: {  	v30 =	vor.u32 $0x7000, v0;
	v5 =	vsel vm8, $0x2F7D, v5;
	v4 =	vsel vm7, $0xFFD, v4  }
0xae: {  	v31 =	vor.u32 $0x7800, v0;
	v5 =	vsel vm7, $0x2FFD, v5;
	v4 =	vsel vm6, $0x1C7D, v4  }
0xaf: {  	v35 =	vor.u32 $0x8800, v0;
	v5 =	vsel vm6, $0x3C7D, v5;
	v4 =	vsel vm5, $0x1CFD, v4  }
0xb0: {  	v39 =	vor.u32 $0x9800, v0;
	v5 =	vsel vm5, $0x3CFD, v5;
	v4 =	vsel vm4, $0x1D7D, v4  }
0xb1: {  	v42 =	vor.u32 $0xA000, v0;
	v5 =	vsel vm4, $0x3D7D, v5;
	v4 =	vsel vm3, $0x1DFD, v4  }
0xb2: {  	v43 =	vor.u32 $0xA800, v0;
	v5 =	vsel vm3, $0x3DFD, v5;
	v4 =	vsel vm2, $0x1E7D, v4  }
0xb3: {  	v47 =	vor.u32 $0xB800, v0;
	v5 =	vsel vm2, $0x3E7D, v5;
	v4 =	vsel vm0, $0x1EFD, v4  }
0xb4: {  	v5 =	vsel vm0, $0x3EFD, v5;
	v56 =	vsel vm1, $0x1F7D, v4;
	v4 =	vsel vm2, $0x1E7E, v58  }
0xb5: {  	v51 =	vor.u32 $0xC800, v0;
	v57 =	vsel vm1, $0x3F7D, v5;
	v4 =	vsel vm0, $0x1EFE, v4  }
0xb6: {  	v5 =	vimm.s32 $0x1FFF;
	v60 =	vsel vm1, $0x1F7E, v4;
	v4 =	vimm.s32 $0x3FFE  }
0xb7: {  	v54 =	vor.u32 $0xD000, v0;
	v5 =	vsel vm14, $0xC7F, v5;
	v4 =	vsel vm14, $0x2C7E, v4  }
0xb8: {  	v55 =	vor.u32 $0xD800, v0;
	v5 =	vsel vm13, $0xCFF, v5;
	v4 =	vsel vm13, $0x2CFE, v4  }
0xb9: {  	v59 =	vor.u32 $0xE800, v0;
	v5 =	vsel vm12, $0xD7F, v5;
	v4 =	vsel vm12, $0x2D7E, v4  }
0xba: {  	v2 =	vsel vm1, $0x1300, v2;
	v5 =	vsel vm11, $0xDFF, v5;
	v4 =	vsel vm11, $0x2DFE, v4  }
0xbb: {  	s1 =	srdreg.scid;
	s5 =	rddreg [dreg:$0x0];
	v3 =	vsel vm1, $0x3300, v3;
	v5 =	vsel vm10, $0xE7F, v5;
	v4 =	vsel vm10, $0x2E7E, v4  }
0xbc: {  	s0 =	stileid.u32;
	s7 =	rddreg [dreg:$0x2];
	s9 =	simm.s32 $0x2;
	v10 =	vor.u32 $0x2000, v0;
	v5 =	vsel vm9, $0xEFF, v5;
	v4 =	vsel vm9, $0x2EFE, v4  }
0xbd: {  	s10 =	simm.s32 $0x280;
	s11 =	simm.s32 $0x1;
	s12 =	simm.s32 $0x10280;
	v14 =	vor.u32 $0x3000, v0;
	v5 =	vsel vm8, $0xF7F, v5;
	v4 =	vsel vm8, $0x2F7E, v4  }
0xbe: {  	s13 =	simm.s32 $0x7A1400;
	s4 =	sand.u32 $0x1, s1;
	s30 =	sshll.u32 s0, $0x1;
	v22 =	vor.u32 $0x5000, v0;
	v5 =	vsel vm7, $0xFFF, v5;
	v4 =	vsel vm7, $0x2FFE, v4  }
0xbf: {  	s14 =	simm.s32 $0x1000;
	s15 =	simm.s32 $0x20000;
	s2 =	sor.u32 s4, s30;
	v26 =	vor.u32 $0x6000, v0;
	v5 =	vsel vm6, $0x1C7F, v5;
	v4 =	vsel vm6, $0x3C7E, v4  }
0xc0: {  	s16 =	simm.s32 $0x0;
	s6 =	sshll.u32 s2, $0x9;
	s2 =	sshll.u32 s2, $0x7;
	v34 =	vor.u32 $0x8000, v0;
	v5 =	vsel vm5, $0x1CFF, v5;
	v4 =	vsel vm5, $0x3CFE, v4  }
0xc1: {  	s4 =	ssub.s32 $0x2, s4;
	s3 =	sand.u32 $0x3000, s6;
	s8 =	sand.u32 $0x380, s2;
	v38 =	vor.u32 $0x9000, v0;
	v5 =	vsel vm4, $0x1D7F, v5;
	v4 =	vsel vm4, $0x3D7E, v4  }
0xc2: {  	s1 =	rddreg [dreg:$0x1];
	s31 =	sshrl.u32 s4, $0x1;
	s8 =	sor.u32 s8, s3;
	v46 =	vor.u32 $0xB000, v0;
	v5 =	vsel vm3, $0x1DFF, v5;
	v4 =	vsel vm3, $0x3DFE, v4  }
0xc3: {  	s2 =	rddreg [dreg:$0x3];
	s3 =	simm.s32 $0x0;
	s8 =	sshrl.u32 s8, $0x3;
	v50 =	vor.u32 $0xC000, v0;
	v5 =	vsel vm2, $0x1E7F, v5;
	v4 =	vsel vm2, $0x3E7E, v4  }
0xc4: {  	[smem:$0x7FF] =	sst s3;
	s5 =	sadd.s32 s8, s5;
	s8 =	ssub.s32 s4, s31;
	v58 =	vor.u32 $0xE000, v0;
	v5 =	vsel vm0, $0x1EFF, v5;
	v4 =	vsel vm0, $0x3EFE, v4  }
0xc5: {  	s4 =	sadd.s32 $0x400, s5;
	s5 =	sadd.s32 s7, s6;
	s6 =	smax.u32 s8, $0x1;
	[tilespmem:$0x1FFD0] =	vst v6;
	v62 =	vsel vm1, $0x1F7F, v5;
	v61 =	vsel vm1, $0x3F7E, v4;
	v4 =	vsel vm0, $0x3EFF, v63  }
0xc6: {  	s7 =	simm.s32 $0x80;
	s8 =	simm.s32 $0x400;
	_ =	strace $0x80000047;
	v5 =	vor.u32 $0xF800, v0;
	v63 =	vsel vm1, $0x3F7F, v4;
	v4 =	vor.u32 $0xF000, v0  }
.LBB2_1:
0xc7: {  	[tilespmem:s3], [sflag:$0x2] =	stream.strided.gather [hbm4b:s4+s7], $0x200, s8, s7, $0x38;
	[tilespmem:$0x14280] =	vst v63  }
0xc8: {  	_ =	swait.ge [sflag:s9], $0x200  }
0xc9: {  	s17 =	simm.s32 $0xFFFFFFF0;
	[sflag:s9] =	ssyncset.done $0x0  }
0xca: {  	s18 =	simm.s32 $0x0;
	s19 =	simm.s32 $0x0;
	[sflag:s9] =	ssyncadd.s32 $0xFFFFFE00  }
.LBB2_2:
0xcb: {  	s20 =	sadd.s32 $0x10, s17  }
0xcc: {  	p0 =	slt.u32 s20, $0x10  }
0xcd: {  	_ =	swait.ge @!p0 [sflag:s11], $0x1000  }
0xce: {  	[sflag:s11] =	ssyncset.done @!p0 $0x0  }
0xcf: {  	[sflag:s11] =	ssyncadd.s32 @!p0 $0xFFFFF000  }
0xd0: {  	v6 =	vld @!p0 [tilespmem:s19+$0xFFFFFFF0];
	_ =	sdelay $0x4  }
0xd1: {  	(v2sf) =	vpush @!p0 v6, $0x0;
	_ =	sdelay $0xe  }
0xd2: {  	s20 =	sand.u32 @!p0 $0xF, s20;
	s21 =	spop @!p0 (v2sf)  }
0xd3: {  	s20 =	sshll.u32 @!p0 s20, $0xC;
	s21 =	sand.u32 @!p0 $0x7F, s21  }
0xd4: {  	s20 =	sor.u32 @!p0 s20, s21  }
0xd5: {  	v6 =	vor.u32 @!p0 s20, v0  }
0xd6: {  	v7 =	vmov @!p0 s17;
	v8 =	vor.u32 @!p0 s20, v1  }
0xd7: {  	v9 =	vshll.u32 @!p0 v7, $0x3  }
0xd8: {  	v7 =	vand.u32 @!p0 $0x7F, v7;
	v9 =	vand.u32 @!p0 $0xFFFFFC00, v9  }
0xd9: {  	v7 =	vor.u32 @!p0 v7, v9  }
0xda: {  	v9 =	vadd.s32 @!p0 v2, v7;
	v6 =	vld.idx.msk @!p0 [tilespmem:v6+s10+$0x0], $0xffff  }
0xdb: {  	v7 =	vadd.s32 @!p0 v3, v7;
	v8 =	vld.idx.msk @!p0 [tilespmem:v8+s10+$0x0], $0xffff;
	_ =	sdelay $0x3  }
0xdc: {  	[tilespmem:v9+s12+$0x0] =	vst.idx.msk @!p0 $0xffff, v6  }
0xdd: {  	[tilespmem:v7+s12+$0x0] =	vst.idx.msk @!p0 $0xffff, v8  }
0xde: {  	v6 =	vld [tilespmem:s19+$0x0];
	_ =	sdelay $0x4  }
0xdf: {  	(v2sf) =	vpush v6, $0x0;
	_ =	sdelay $0xb  }
0xe0: {  	s17 =	sadd.s32 $0x1, s17  }
0xe1: {  	p0 =	sne.s32 s17, $0x1F0  }
.Ltmp0:
0xe2: {  	_ = 	snop;
	(pc) =	sbr.rel @p0 .LBB2_2-.Ltmp0, $4  }
0xe3: {  	s31 =	sand.u32 $0x3C000, s18;
	s30 =	spop (v2sf)  }
0xe4: {  	s18 =	sadd.s32 $0x4000, s18;
	s21 =	sshrl.u32 s31, $0x2;
	s20 =	sand.u32 $0xFFFFF80, s30  }
0xe5: {  	s21 =	sor.u32 $0x280, s21;
	s19 =	sadd.s32 $0x1, s19;
	s20 =	sadd.s32 s1, s20  }
0xe6: {  	[tilespmem:s21], [sflag:$0x1] =	stream.strided.gather [hbm4b:s20+s8], $0x1000, s13, s8, $0x38;
	[tilespmem:$0x14280] =	vst v63  }
0xe7: {  	_ =	swait.ge [sflag:s11], $0x1000  }
0xe8: {  	[sflag:s11] =	ssyncset.done $0x0  }
0xe9: {  	[sflag:s11] =	ssyncadd.s32 $0xFFFFF000  }
0xea: {  	v6 =	vld [tilespmem:$0x1F0];
	_ =	sdelay $0x4  }
0xeb: {  	(v2sf) =	vpush v6, $0x0;
	_ =	sdelay $0xe  }
0xec: {  	s17 =	spop (v2sf)  }
0xed: {  	s17 =	sand.u32 $0x7F, s17  }
0xee: {  	v6 =	vor.u32 s17, v0;
	_ =	sdelay $0x1  }
0xef: {  	v8 =	vld [tilespmem:$0x1FFA0];
	_ =	sdelay $0x1  }
0xf0: {  	v7 =	vor.u32 s17, v1  }
0xf1: {  	v6 =	vld.idx.msk [tilespmem:v6+s10+$0x0], $0xffff;
	_ =	sdelay $0x3  }
0xf2: {  	v7 =	vld.idx.msk [tilespmem:v7+s10+$0x0], $0xffff  }
0xf3: {  	[tilespmem:v8+s12+$0x0] =	vst.idx.msk $0xffff, v6;
	v6 =	vld [tilespmem:$0x1FFB0];
	_ =	sdelay $0x7  }
0xf4: {  	[tilespmem:v6+s12+$0x0] =	vst.idx.msk $0xffff, v7  }
0xf5: {  	_ =	swait.ge [sflag:s11], $0x1000  }
0xf6: {  	[sflag:s11] =	ssyncset.done $0x0  }
0xf7: {  	[sflag:s11] =	ssyncadd.s32 $0xFFFFF000  }
0xf8: {  	v6 =	vld [tilespmem:$0x1F1];
	_ =	sdelay $0x4  }
0xf9: {  	(v2sf) =	vpush v6, $0x0;
	_ =	sdelay $0xb  }
0xfa: {  	v6 =	vld [tilespmem:$0x1FFC0];
	_ =	sdelay $0x2  }
0xfb: {  	s30 =	spop (v2sf)  }
0xfc: {  	v7 =	vld [tilespmem:$0x1FFD0];
	s17 =	sand.u32 $0x7F, s30  }
0xfd: {  	v6 =	vor.u32 s17, v6;
	_ =	sdelay $0x1  }
0xfe: {  	v8 =	vld [tilespmem:$0x1FFE0];
	_ =	sdelay $0x1  }
0xff: {  	v7 =	vor.u32 s17, v7  }
0x100: {  	v6 =	vld.idx.msk [tilespmem:v6+s10+$0x0], $0xffff;
	_ =	sdelay $0x3  }
0x101: {  	v7 =	vld.idx.msk [tilespmem:v7+s10+$0x0], $0xffff  }
0x102: {  	[tilespmem:v8+s12+$0x0] =	vst.idx.msk $0xffff, v6;
	v6 =	vld [tilespmem:$0x1FFF0];
	_ =	sdelay $0x7  }
0x103: {  	[tilespmem:v6+s12+$0x0] =	vst.idx.msk $0xffff, v7  }
0x104: {  	_ =	swait.ge [sflag:s11], $0x1000  }
0x105: {  	[sflag:s11] =	ssyncset.done $0x0  }
0x106: {  	[sflag:s11] =	ssyncadd.s32 $0xFFFFF000  }
0x107: {  	v6 =	vld [tilespmem:$0x1F2];
	_ =	sdelay $0x4  }
0x108: {  	(v2sf) =	vpush v6, $0x0;
	_ =	sdelay $0xe  }
0x109: {  	s31 =	spop (v2sf)  }
0x10a: {  	s17 =	sand.u32 $0x7F, s31  }
0x10b: {  	v6 =	vor.u32 s17, v10  }
0x10c: {  	v7 =	vor.u32 s17, v11;
	_ =	sdelay $0x3  }
0x10d: {  	v6 =	vld.idx.msk [tilespmem:v6+s10+$0x0], $0xffff  }
0x10e: {  	v7 =	vld.idx.msk [tilespmem:v7+s10+$0x0], $0xffff;
	_ =	sdelay $0x3  }
0x10f: {  	[tilespmem:v12+s12+$0x0] =	vst.idx.msk $0xffff, v6  }
0x110: {  	[tilespmem:v13+s12+$0x0] =	vst.idx.msk $0xffff, v7  }
0x111: {  	_ =	swait.ge [sflag:s11], $0x1000  }
0x112: {  	[sflag:s11] =	ssyncset.done $0x0  }
0x113: {  	[sflag:s11] =	ssyncadd.s32 $0xFFFFF000  }
0x114: {  	v6 =	vld [tilespmem:$0x1F3];
	_ =	sdelay $0x4  }
0x115: {  	(v2sf) =	vpush v6, $0x0;
	_ =	sdelay $0xe  }
0x116: {  	s18 =	spop (v2sf)  }
0x117: {  	s17 =	sand.u32 $0x7F, s18  }
0x118: {  	v6 =	vor.u32 s17, v14  }
0x119: {  	v7 =	vor.u32 s17, v15;
	_ =	sdelay $0x3  }
0x11a: {  	v6 =	vld.idx.msk [tilespmem:v6+s10+$0x0], $0xffff  }
0x11b: {  	v7 =	vld.idx.msk [tilespmem:v7+s10+$0x0], $0xffff;
	_ =	sdelay $0x3  }
0x11c: {  	[tilespmem:v16+s12+$0x0] =	vst.idx.msk $0xffff, v6  }
0x11d: {  	[tilespmem:v17+s12+$0x0] =	vst.idx.msk $0xffff, v7  }
0x11e: {  	_ =	swait.ge [sflag:s11], $0x1000  }
0x11f: {  	[sflag:s11] =	ssyncset.done $0x0  }
0x120: {  	[sflag:s11] =	ssyncadd.s32 $0xFFFFF000  }
0x121: {  	v6 =	vld [tilespmem:$0x1F4];
	_ =	sdelay $0x4  }
0x122: {  	(v2sf) =	vpush v6, $0x0;
	_ =	sdelay $0xe  }
0x123: {  	s19 =	spop (v2sf)  }
0x124: {  	s17 =	sand.u32 $0x7F, s19  }
0x125: {  	v6 =	vor.u32 s17, v18  }
0x126: {  	v7 =	vor.u32 s17, v19;
	_ =	sdelay $0x3  }
0x127: {  	v6 =	vld.idx.msk [tilespmem:v6+s10+$0x0], $0xffff  }
0x128: {  	v7 =	vld.idx.msk [tilespmem:v7+s10+$0x0], $0xffff;
	_ =	sdelay $0x3  }
0x129: {  	[tilespmem:v20+s12+$0x0] =	vst.idx.msk $0xffff, v6  }
0x12a: {  	[tilespmem:v21+s12+$0x0] =	vst.idx.msk $0xffff, v7  }
0x12b: {  	_ =	swait.ge [sflag:s11], $0x1000  }
0x12c: {  	[sflag:s11] =	ssyncset.done $0x0  }
0x12d: {  	[sflag:s11] =	ssyncadd.s32 $0xFFFFF000  }
0x12e: {  	v6 =	vld [tilespmem:$0x1F5];
	_ =	sdelay $0x4  }
0x12f: {  	(v2sf) =	vpush v6, $0x0;
	_ =	sdelay $0xe  }
0x130: {  	s20 =	spop (v2sf)  }
0x131: {  	s17 =	sand.u32 $0x7F, s20  }
0x132: {  	v6 =	vor.u32 s17, v22  }
0x133: {  	v7 =	vor.u32 s17, v23;
	_ =	sdelay $0x3  }
0x134: {  	v6 =	vld.idx.msk [tilespmem:v6+s10+$0x0], $0xffff  }
0x135: {  	v7 =	vld.idx.msk [tilespmem:v7+s10+$0x0], $0xffff;
	_ =	sdelay $0x3  }
0x136: {  	[tilespmem:v24+s12+$0x0] =	vst.idx.msk $0xffff, v6  }
0x137: {  	[tilespmem:v25+s12+$0x0] =	vst.idx.msk $0xffff, v7  }
0x138: {  	_ =	swait.ge [sflag:s11], $0x1000  }
0x139: {  	[sflag:s11] =	ssyncset.done $0x0  }
0x13a: {  	[sflag:s11] =	ssyncadd.s32 $0xFFFFF000  }
0x13b: {  	v6 =	vld [tilespmem:$0x1F6];
	_ =	sdelay $0x4  }
0x13c: {  	(v2sf) =	vpush v6, $0x0;
	_ =	sdelay $0xe  }
0x13d: {  	s21 =	spop (v2sf)  }
0x13e: {  	s17 =	sand.u32 $0x7F, s21  }
0x13f: {  	v6 =	vor.u32 s17, v26  }
0x140: {  	v7 =	vor.u32 s17, v27;
	_ =	sdelay $0x3  }
0x141: {  	v6 =	vld.idx.msk [tilespmem:v6+s10+$0x0], $0xffff  }
0x142: {  	v7 =	vld.idx.msk [tilespmem:v7+s10+$0x0], $0xffff;
	_ =	sdelay $0x3  }
0x143: {  	[tilespmem:v28+s12+$0x0] =	vst.idx.msk $0xffff, v6  }
0x144: {  	[tilespmem:v29+s12+$0x0] =	vst.idx.msk $0xffff, v7  }
0x145: {  	_ =	swait.ge [sflag:s11], $0x1000  }
0x146: {  	[sflag:s11] =	ssyncset.done $0x0  }
0x147: {  	[sflag:s11] =	ssyncadd.s32 $0xFFFFF000  }
0x148: {  	v6 =	vld [tilespmem:$0x1F7];
	_ =	sdelay $0x4  }
0x149: {  	(v2sf) =	vpush v6, $0x0;
	_ =	sdelay $0xe  }
0x14a: {  	s22 =	spop (v2sf)  }
0x14b: {  	s17 =	sand.u32 $0x7F, s22  }
0x14c: {  	v6 =	vor.u32 s17, v30  }
0x14d: {  	v7 =	vor.u32 s17, v31;
	_ =	sdelay $0x3  }
0x14e: {  	v6 =	vld.idx.msk [tilespmem:v6+s10+$0x0], $0xffff  }
0x14f: {  	v7 =	vld.idx.msk [tilespmem:v7+s10+$0x0], $0xffff;
	_ =	sdelay $0x3  }
0x150: {  	[tilespmem:v32+s12+$0x0] =	vst.idx.msk $0xffff, v6  }
0x151: {  	[tilespmem:v33+s12+$0x0] =	vst.idx.msk $0xffff, v7  }
0x152: {  	_ =	swait.ge [sflag:s11], $0x1000  }
0x153: {  	[sflag:s11] =	ssyncset.done $0x0  }
0x154: {  	[sflag:s11] =	ssyncadd.s32 $0xFFFFF000  }
0x155: {  	v6 =	vld [tilespmem:$0x1F8];
	_ =	sdelay $0x4  }
0x156: {  	(v2sf) =	vpush v6, $0x0;
	_ =	sdelay $0xe  }
0x157: {  	s23 =	spop (v2sf)  }
0x158: {  	s17 =	sand.u32 $0x7F, s23  }
0x159: {  	v6 =	vor.u32 s17, v34  }
0x15a: {  	v7 =	vor.u32 s17, v35;
	_ =	sdelay $0x3  }
0x15b: {  	v6 =	vld.idx.msk [tilespmem:v6+s10+$0x0], $0xffff  }
0x15c: {  	v7 =	vld.idx.msk [tilespmem:v7+s10+$0x0], $0xffff;
	_ =	sdelay $0x3  }
0x15d: {  	[tilespmem:v36+s12+$0x0] =	vst.idx.msk $0xffff, v6  }
0x15e: {  	[tilespmem:v37+s12+$0x0] =	vst.idx.msk $0xffff, v7  }
0x15f: {  	_ =	swait.ge [sflag:s11], $0x1000  }
0x160: {  	[sflag:s11] =	ssyncset.done $0x0  }
0x161: {  	[sflag:s11] =	ssyncadd.s32 $0xFFFFF000  }
0x162: {  	v6 =	vld [tilespmem:$0x1F9];
	_ =	sdelay $0x4  }
0x163: {  	(v2sf) =	vpush v6, $0x0;
	_ =	sdelay $0xe  }
0x164: {  	s24 =	spop (v2sf)  }
0x165: {  	s17 =	sand.u32 $0x7F, s24  }
0x166: {  	v6 =	vor.u32 s17, v38  }
0x167: {  	v7 =	vor.u32 s17, v39;
	_ =	sdelay $0x3  }
0x168: {  	v6 =	vld.idx.msk [tilespmem:v6+s10+$0x0], $0xffff  }
0x169: {  	v7 =	vld.idx.msk [tilespmem:v7+s10+$0x0], $0xffff;
	_ =	sdelay $0x3  }
0x16a: {  	[tilespmem:v40+s12+$0x0] =	vst.idx.msk $0xffff, v6  }
0x16b: {  	[tilespmem:v41+s12+$0x0] =	vst.idx.msk $0xffff, v7  }
0x16c: {  	_ =	swait.ge [sflag:s11], $0x1000  }
0x16d: {  	[sflag:s11] =	ssyncset.done $0x0  }
0x16e: {  	[sflag:s11] =	ssyncadd.s32 $0xFFFFF000  }
0x16f: {  	v6 =	vld [tilespmem:$0x1FA];
	_ =	sdelay $0x4  }
0x170: {  	(v2sf) =	vpush v6, $0x0;
	_ =	sdelay $0xe  }
0x171: {  	s25 =	spop (v2sf)  }
0x172: {  	s17 =	sand.u32 $0x7F, s25  }
0x173: {  	v6 =	vor.u32 s17, v42  }
0x174: {  	v7 =	vor.u32 s17, v43;
	_ =	sdelay $0x3  }
0x175: {  	v6 =	vld.idx.msk [tilespmem:v6+s10+$0x0], $0xffff  }
0x176: {  	v7 =	vld.idx.msk [tilespmem:v7+s10+$0x0], $0xffff;
	_ =	sdelay $0x3  }
0x177: {  	[tilespmem:v44+s12+$0x0] =	vst.idx.msk $0xffff, v6  }
0x178: {  	[tilespmem:v45+s12+$0x0] =	vst.idx.msk $0xffff, v7  }
0x179: {  	_ =	swait.ge [sflag:s11], $0x1000  }
0x17a: {  	[sflag:s11] =	ssyncset.done $0x0  }
0x17b: {  	[sflag:s11] =	ssyncadd.s32 $0xFFFFF000  }
0x17c: {  	v6 =	vld [tilespmem:$0x1FB];
	_ =	sdelay $0x4  }
0x17d: {  	(v2sf) =	vpush v6, $0x0;
	_ =	sdelay $0xe  }
0x17e: {  	s26 =	spop (v2sf)  }
0x17f: {  	s17 =	sand.u32 $0x7F, s26  }
0x180: {  	v6 =	vor.u32 s17, v46  }
0x181: {  	v7 =	vor.u32 s17, v47;
	_ =	sdelay $0x3  }
0x182: {  	v6 =	vld.idx.msk [tilespmem:v6+s10+$0x0], $0xffff  }
0x183: {  	v7 =	vld.idx.msk [tilespmem:v7+s10+$0x0], $0xffff;
	_ =	sdelay $0x3  }
0x184: {  	[tilespmem:v48+s12+$0x0] =	vst.idx.msk $0xffff, v6  }
0x185: {  	[tilespmem:v49+s12+$0x0] =	vst.idx.msk $0xffff, v7  }
0x186: {  	_ =	swait.ge [sflag:s11], $0x1000  }
0x187: {  	[sflag:s11] =	ssyncset.done $0x0  }
0x188: {  	[sflag:s11] =	ssyncadd.s32 $0xFFFFF000  }
0x189: {  	v6 =	vld [tilespmem:$0x1FC];
	_ =	sdelay $0x4  }
0x18a: {  	(v2sf) =	vpush v6, $0x0;
	_ =	sdelay $0xe  }
0x18b: {  	s28 =	spop (v2sf)  }
0x18c: {  	s17 =	sand.u32 $0x7F, s28  }
0x18d: {  	v6 =	vor.u32 s17, v50  }
0x18e: {  	v7 =	vor.u32 s17, v51;
	_ =	sdelay $0x3  }
0x18f: {  	v6 =	vld.idx.msk [tilespmem:v6+s10+$0x0], $0xffff  }
0x190: {  	v7 =	vld.idx.msk [tilespmem:v7+s10+$0x0], $0xffff;
	_ =	sdelay $0x3  }
0x191: {  	[tilespmem:v52+s12+$0x0] =	vst.idx.msk $0xffff, v6  }
0x192: {  	[tilespmem:v53+s12+$0x0] =	vst.idx.msk $0xffff, v7  }
0x193: {  	_ =	swait.ge [sflag:s11], $0x1000  }
0x194: {  	[sflag:s11] =	ssyncset.done $0x0  }
0x195: {  	[sflag:s11] =	ssyncadd.s32 $0xFFFFF000  }
0x196: {  	v6 =	vld [tilespmem:$0x1FD];
	_ =	sdelay $0x4  }
0x197: {  	(v2sf) =	vpush v6, $0x0;
	_ =	sdelay $0xe  }
0x198: {  	s29 =	spop (v2sf)  }
0x199: {  	s17 =	sand.u32 $0x7F, s29  }
0x19a: {  	v6 =	vor.u32 s17, v54  }
0x19b: {  	v7 =	vor.u32 s17, v55;
	_ =	sdelay $0x3  }
0x19c: {  	v6 =	vld.idx.msk [tilespmem:v6+s10+$0x0], $0xffff  }
0x19d: {  	v7 =	vld.idx.msk [tilespmem:v7+s10+$0x0], $0xffff;
	_ =	sdelay $0x3  }
0x19e: {  	[tilespmem:v56+s12+$0x0] =	vst.idx.msk $0xffff, v6  }
0x19f: {  	[tilespmem:v57+s12+$0x0] =	vst.idx.msk $0xffff, v7  }
0x1a0: {  	_ =	swait.ge [sflag:s11], $0x1000  }
0x1a1: {  	[sflag:s11] =	ssyncset.done $0x0  }
0x1a2: {  	[sflag:s11] =	ssyncadd.s32 $0xFFFFF000  }
0x1a3: {  	v6 =	vld [tilespmem:$0x1FE];
	_ =	sdelay $0x4  }
0x1a4: {  	(v2sf) =	vpush v6, $0x0;
	_ =	sdelay $0xe  }
0x1a5: {  	s30 =	spop (v2sf)  }
0x1a6: {  	s17 =	sand.u32 $0x7F, s30  }
0x1a7: {  	v6 =	vor.u32 s17, v58  }
0x1a8: {  	v7 =	vor.u32 s17, v59;
	_ =	sdelay $0x3  }
0x1a9: {  	v6 =	vld.idx.msk [tilespmem:v6+s10+$0x0], $0xffff  }
0x1aa: {  	v7 =	vld.idx.msk [tilespmem:v7+s10+$0x0], $0xffff;
	_ =	sdelay $0x3  }
0x1ab: {  	[tilespmem:v60+s12+$0x0] =	vst.idx.msk $0xffff, v6  }
0x1ac: {  	[tilespmem:v61+s12+$0x0] =	vst.idx.msk $0xffff, v7  }
0x1ad: {  	_ =	swait.ge [sflag:s11], $0x1000  }
0x1ae: {  	[sflag:s11] =	ssyncset.done $0x0  }
0x1af: {  	[sflag:s11] =	ssyncadd.s32 $0xFFFFF000  }
0x1b0: {  	v6 =	vld [tilespmem:$0x1FF];
	_ =	sdelay $0x4  }
0x1b1: {  	(v2sf) =	vpush v6, $0x0;
	_ =	sdelay $0xe  }
0x1b2: {  	s31 =	spop (v2sf)  }
0x1b3: {  	s17 =	sand.u32 $0x7F, s31  }
0x1b4: {  	v6 =	vor.u32 s17, v4  }
0x1b5: {  	v7 =	vor.u32 s17, v5;
	_ =	sdelay $0x3  }
0x1b6: {  	v6 =	vld.idx.msk [tilespmem:v6+s10+$0x0], $0xffff  }
0x1b7: {  	v7 =	vld.idx.msk [tilespmem:v7+s10+$0x0], $0xffff;
	_ =	sdelay $0x2  }
0x1b8: {  	s16 =	sadd.s32 $0x1, s16  }
0x1b9: {  	p0 =	sne.s32 s16, s6;
	[tilespmem:v62+s12+$0x0] =	vst.idx.msk $0xffff, v6  }
.Ltmp1:
0x1ba: {  	[tilespmem:v63+s12+$0x0] =	vst.idx.msk $0xffff, v7;
	(pc) =	sbr.rel @p0 .LBB2_1-.Ltmp1, $4  }
0x1bb: {  	[hbm4b:s5+s14] =	stream.strided.scatter [tilespmem:s12], [sflag:$0x2], $0x4000, s15, s14, $0x38;
	[tilespmem:$0x14280] =	vst v63  }
0x1bc: {  	_ =	swait.ge [sflag:s9], $0x4000  }
0x1bd: {  	[sflag:s9] =	ssyncset.done $0x0  }
0x1be: {  	[sflag:s9] =	ssyncadd.s32 $0xFFFFC000  }
0x1bf: {  	_ =	sfence.sel $0x180000  }
0x1c0: {  	[bflag:$0x0] =	sbarrier.arrive $0xFFFF  }
0x1c1: {  	p0 =	sne.s32 s0, $0x0;
	_ =	strace $0x90000047  }
0x1c2: {  	s0 =	sadd.s32 @!p0 $0x100000, s2;
	[bflag:$0x2] =	sbarrier.arrive $0xFFFF  }
0x1c3: {  	[sflag:s0] =	ssyncadd.tile.s32 @!p0 $0x1;
	_ =	shalt  }
.Lfunc_end2:
_tile_overlayer_lowered:
.L_overlay_start_2:
0x1c4: {  	(tag) =	ssettag $0x2  }
0x1c5: {  	s0 =	rddreg [dreg:$0x0];
	s2 =	stileid.u32  }
0x1c6: {  	s1 =	rddreg [dreg:$0x1];
	p0 =	sne.s32 s2, $0x0  }
0x1c7: {  	s3 =	rddreg [dreg:$0x2];
	[bflag:$0x3] =	sbarrier.arrive $0xFFFF;
	s2 =	simm.s32 @!p0 $0x1C02  }
0x1c8: {  	[timem:s3], [sflag:s2] =	dma.local @!p0 [hbm:s0], s1  }
0x1c9: {  	s0 =	simm.s32 @!p0 $0x2  }
0x1ca: {  	_ =	swait.ge @!p0 [sflag:s0], s1  }
0x1cb: {  	s1 =	ssub.s32 @!p0 $0x0, s1;
	[sflag:s0] =	ssyncset.done @!p0 $0x0  }
0x1cc: {  	[sflag:s0] =	ssyncadd.s32 @!p0 s1  }
0x1cd: {  	[bflag:$0x3] =	sbarrier.arrive $0xFFFF  }
0x1ce: {  	_ =	shalt  }

</sc_bundles>
